<compile_context>
chip_gen: v7x
topology: tpu7x:2x2x1
jax: 0.10.2.dev20260603
libtpu: 0.0.44.dev20260713+nightly
codegen_flags: <defaults>
</compile_context>

<pallas_src>
import functools

import jax
import jax.numpy as jnp
from jax import lax
from jax.experimental import pallas as pl
from jax.experimental.pallas import tpu as pltpu
from jax.experimental.pallas import tpu_sc as plsc

N = 512
U = 128
D_IN = 128
IN_SZ = D_IN + U
NM = 3

LANES = 16
NW = 32
ROWS_PER_W = N // NW
TILE_WORDS = ROWS_PER_W * N


def _densify_body(nnz, sr_hbm, sc_hbm, sv_hbm, out_hbm, sr_v, sc_v, sv_v, tile_v):
    wid = lax.axis_index("s") * 2 + lax.axis_index("c")
    lo = wid * ROWS_PER_W
    pltpu.sync_copy(sr_hbm, sr_v.at[pl.ds(0, nnz)])
    pltpu.sync_copy(sc_hbm, sc_v.at[pl.ds(0, nnz)])
    pltpu.sync_copy(sv_hbm, sv_v.at[pl.ds(0, nnz)])

    zeros16 = jnp.zeros((LANES,), jnp.float32)

    def zero_body(i, _):
        tile_v[pl.ds(i * LANES, LANES)] = zeros16
        return 0

    lax.fori_loop(0, TILE_WORDS // LANES, zero_body, 0)

    def lower_bound(target):
        def cond(c):
            return c[0] < c[1]

        def body(c):
            lb, ub = c
            mid = (lb + ub) // 2
            v = sr_v[pl.ds(mid, LANES)][0]
            lt = v < target
            return jnp.where(lt, mid + 1, lb), jnp.where(lt, ub, mid)

        return lax.while_loop(cond, body, (jnp.int32(0), jnp.int32(nnz)))[0]

    e0 = lower_bound(lo)
    e1 = lower_bound(lo + ROWS_PER_W)
    start16 = (e0 // LANES) * LANES
    nvec = (e1 - start16 + LANES - 1) // LANES
    lane = lax.iota(jnp.int32, LANES)

    def edge_body(k, _):
        base = start16 + k * LANES
        r = sr_v[pl.ds(base, LANES)]
        c = sc_v[pl.ds(base, LANES)]
        v = sv_v[pl.ds(base, LANES)]
        m = (r >= lo) & (r < lo + ROWS_PER_W) & (base + lane < nnz)
        lin = (r - lo) * N + c
        plsc.store_scatter(tile_v, [lin], v, mask=m)
        return 0

    lax.fori_loop(0, nvec, edge_body, 0)
    pltpu.sync_copy(tile_v, out_hbm.at[pl.ds(wid * TILE_WORDS, TILE_WORDS)])


def _densify(sup_rows, sup_cols, sup_vals):
    nnz = sup_rows.shape[0]
    nbuf = (nnz // LANES + 2) * LANES

    mesh = plsc.VectorSubcoreMesh(core_axis_name="c", subcore_axis_name="s")
    fn = functools.partial(
        pl.kernel,
        mesh=mesh,
        out_type=jax.ShapeDtypeStruct((N * N,), jnp.float32),
        scratch_types=[
            pltpu.VMEM((nbuf,), jnp.int32),
            pltpu.VMEM((nbuf,), jnp.int32),
            pltpu.VMEM((nbuf,), jnp.float32),
            pltpu.VMEM((TILE_WORDS,), jnp.float32),
        ],
        compiler_params=pltpu.CompilerParams(needs_layout_passes=False),
    )(functools.partial(_densify_body, nnz))
    return fn(sup_rows.astype(jnp.int32), sup_cols.astype(jnp.int32), sup_vals).reshape(N, N)


def _dotf(a, b):
    return jnp.dot(a, b, preferred_element_type=jnp.float32)


def _dotb(a, b):
    return jnp.dot(a, b, preferred_element_type=jnp.float32).astype(jnp.bfloat16)


BB = 8


def _cell_kernel(s_ref, inp_ref, st_ref, wg_ref, bg_ref, wc_ref, bc_ref, out_ref, out2_ref, sbf_ref):
    @pl.when(pl.program_id(0) == 0)
    def _():
        sbf_ref[...] = s_ref[...].astype(jnp.bfloat16)

    s = sbf_ref[...]
    ii = [inp_ref[k].reshape(N, D_IN).astype(jnp.bfloat16) for k in range(BB)]
    ss = [st_ref[k].reshape(N, U) for k in range(BB)]
    ssb = [x.astype(jnp.bfloat16) for x in ss]
    ist = jnp.concatenate(ii + ssb, axis=1)
    d1 = _dotb(s, ist)
    d2 = _dotb(s, d1)

    def sl(d, k):
        return d[:, k * 128 : (k + 1) * 128]

    g_in = jnp.concatenate(
        [
            jnp.concatenate([ii[k], ssb[k], sl(d1, k), sl(d1, BB + k), sl(d2, k), sl(d2, BB + k)], axis=1)
            for k in range(BB)
        ],
        axis=0,
    )
    g = jax.nn.sigmoid(_dotf(g_in, wg_ref[...]) + bg_ref[0])
    uu = [g[k * N : (k + 1) * N, U:] for k in range(BB)]
    rs = [(g[k * N : (k + 1) * N, :U] * ss[k]).astype(jnp.bfloat16) for k in range(BB)]
    e1 = _dotb(s, jnp.concatenate(rs, axis=1))
    e2 = _dotb(s, e1)
    c_in = jnp.concatenate(
        [
            jnp.concatenate([ii[k], rs[k], sl(d1, k), sl(e1, k), sl(d2, k), sl(e2, k)], axis=1)
            for k in range(BB)
        ],
        axis=0,
    )
    c = jnp.tanh(_dotf(c_in, wc_ref[...]) + bc_ref[0])
    for k in range(BB):
        o = (uu[k] * ss[k] + (1.0 - uu[k]) * c[k * N : (k + 1) * N]).reshape(N * U)
        out_ref[k] = o
        out2_ref[k] = o


def _prep_weights(w, out_sz):
    w3 = w.reshape(IN_SZ, NM, out_sz)
    return jnp.concatenate(
        [
            w3[:D_IN, 0] - w3[:D_IN, 2],
            w3[D_IN:, 0] - w3[D_IN:, 2],
            w3[:D_IN, 1],
            w3[D_IN:, 1],
            2.0 * w3[:D_IN, 2],
            2.0 * w3[D_IN:, 2],
        ],
        axis=0,
    )


def kernel(inputs, state, gate_weights, gate_biases, candidate_weights, candidate_biases, sup_rows, sup_cols, sup_vals):
    B = inputs.shape[0]
    wg = _prep_weights(gate_weights, 2 * U)
    wc = _prep_weights(candidate_weights, U)
    bg = gate_biases.reshape(1, 2 * U)
    bc = candidate_biases.reshape(1, U)

    s_dense = _densify(sup_rows, sup_cols, sup_vals)

    out = pl.pallas_call(
        _cell_kernel,
        grid=(B // BB,),
        in_specs=[
            pl.BlockSpec((N, N), lambda b: (0, 0)),
            pl.BlockSpec((BB, N * D_IN), lambda b: (b, 0)),
            pl.BlockSpec((BB, N * U), lambda b: (b, 0)),
            pl.BlockSpec((NM * IN_SZ, 2 * U), lambda b: (0, 0)),
            pl.BlockSpec((1, 2 * U), lambda b: (0, 0)),
            pl.BlockSpec((NM * IN_SZ, U), lambda b: (0, 0)),
            pl.BlockSpec((1, U), lambda b: (0, 0)),
        ],
        out_specs=[
            pl.BlockSpec((BB, N * U), lambda b: (b, 0)),
            pl.BlockSpec((BB, N * U), lambda b: (b, 0)),
        ],
        out_shape=[
            jax.ShapeDtypeStruct((B, N * U), jnp.float32),
            jax.ShapeDtypeStruct((B, N * U), jnp.float32),
        ],
        scratch_shapes=[pltpu.VMEM((N, N), jnp.bfloat16)],
    )(s_dense, inputs, state, wg.astype(jnp.bfloat16), bg, wc.astype(jnp.bfloat16), bc)

    return out[0], out[1]

# --- scband reference (transcript-rebuilt; emitter-appended) ---
"""Pipeline reference for scband-dcgrucell-56779467653495 (READ-ONLY COPY).

The authoritative reference and input builder live on the scoring server;
editing this copy changes nothing except your own understanding.
"""

import jax, jax.numpy as jnp
import numpy as np

N = 512
U = 128
D_IN = 128
K = 2


def _build_support():
    rng = np.random.default_rng(0)
    deg = 32
    rows = np.repeat(np.arange(N), deg)
    cols = rng.integers(0, N, size=N * deg)
    vals = rng.random(N * deg).astype(np.float32)
    A = np.zeros((N, N), dtype=np.float32)
    A[rows, cols] = vals
    A = np.maximum(A, A.T)
    d = A.sum(axis=1)
    d_inv_sqrt = np.where(d > 0, np.power(d, -0.5, where=d > 0), 0.0).astype(np.float32)
    L = np.eye(N, dtype=np.float32) - (d_inv_sqrt[:, None] * A) * d_inv_sqrt[None, :]
    S = ((2.0 / 2.0) * L - np.eye(N, dtype=np.float32)).astype(np.float32)
    sr, sc = np.nonzero(S)
    sv = S[sr, sc].astype(np.float32)
    return sr.astype(np.int64), sc.astype(np.int64), sv


def setup_inputs(seed: int = 0):
    key = jax.random.key(seed)
    ks = jax.random.split(key, 6)
    B = 64
    num_matrices = K + 1
    in_sz = D_IN + U
    sr, sc, sv = _build_support()
    scale_g = (6.0 / (num_matrices * in_sz + 2 * U)) ** 0.5
    scale_c = (6.0 / (num_matrices * in_sz + U)) ** 0.5
    return {
        "inputs": jax.random.normal(ks[0], (B, N * D_IN), dtype=jnp.float32),
        "state": jax.random.normal(ks[1], (B, N * U), dtype=jnp.float32),
        "gate_weights": jax.random.uniform(ks[2], (num_matrices * in_sz, 2 * U), jnp.float32, -scale_g, scale_g),
        "gate_biases": jnp.ones((2 * U,), dtype=jnp.float32),
        "candidate_weights": jax.random.uniform(ks[3], (num_matrices * in_sz, U), jnp.float32, -scale_c, scale_c),
        "candidate_biases": jnp.zeros((U,), dtype=jnp.float32),
        "sup_rows": jnp.asarray(sr),
        "sup_cols": jnp.asarray(sc),
        "sup_vals": jnp.asarray(sv),
    }


def _spmm(sup_rows, sup_cols, sup_vals, x):
    # sparse matrix (COO) @ dense: gather rows of x by col index, scale, scatter-add by row index
    return jax.ops.segment_sum(sup_vals[:, None] * x[sup_cols], sup_rows, num_segments=N)


def _gconv(inputs, state, weights, biases, out_size, sup_rows, sup_cols, sup_vals):
    B = inputs.shape[0]
    inp = inputs.reshape(B, N, -1)
    st = state.reshape(B, N, -1)
    ias = jnp.concatenate([inp, st], axis=2)
    isz = ias.shape[2]
    x0 = jnp.transpose(ias, (1, 2, 0)).reshape(N, isz * B)
    xs = [x0]
    if K > 0:
        x1 = _spmm(sup_rows, sup_cols, sup_vals, x0)
        xs.append(x1)
        for _ in range(2, K + 1):
            x2 = 2.0 * _spmm(sup_rows, sup_cols, sup_vals, x1) - x0
            xs.append(x2)
            x0, x1 = x1, x2
    nm = len(xs)
    x = jnp.stack(xs, axis=0).reshape(nm, N, isz, B)
    x = jnp.transpose(x, (3, 1, 2, 0)).reshape(B * N, isz * nm)
    x = jnp.matmul(x, weights) + biases
    return x.reshape(B, N * out_size)


def reference(inputs, state, gate_weights, gate_biases, candidate_weights, candidate_biases, sup_rows, sup_cols, sup_vals):
    B = inputs.shape[0]
    gate_inputs = jax.nn.sigmoid(
        _gconv(inputs, state, gate_weights, gate_biases, 2 * U, sup_rows, sup_cols, sup_vals)
    )
    gate_inputs = gate_inputs.reshape(B, N, 2 * U)
    r = gate_inputs[:, :, :U].reshape(B, N * U)
    u = gate_inputs[:, :, U:].reshape(B, N * U)
    candidate = jnp.tanh(
        _gconv(inputs, r * state, candidate_weights, candidate_biases, U, sup_rows, sup_cols, sup_vals)
    )
    new_state = u * state + (1.0 - u) * candidate
    output = new_state
    return output, new_state

if __name__ == "__main__":
    import jax
    _d = setup_inputs()
    print(jax.jit(kernel)(*tuple(_d.values())))

</pallas_src>

<mosaic_0001>
#map = affine_map<(d0, d1) -> (0)>
module attributes {stable_mosaic.version = 14 : i64} {
  func.func @_densify_body(%arg0: i32, %arg1: i32, %arg2: memref<30794xi32, #tpu.memory_space<hbm>>, %arg3: memref<30794xi32, #tpu.memory_space<hbm>>, %arg4: memref<30794xf32, #tpu.memory_space<hbm>>, %arg5: memref<262144xf32, #tpu.memory_space<hbm>>, %arg6: memref<30816xi32, #tpu.memory_space<vmem>>, %arg7: memref<30816xi32, #tpu.memory_space<vmem>>, %arg8: memref<30816xf32, #tpu.memory_space<vmem>>, %arg9: memref<8192xf32, #tpu.memory_space<vmem>>) attributes {dimension_semantics = [#tpu.dimension_semantics<core_parallel>, #tpu.dimension_semantics<subcore_parallel>], iteration_bounds = array<i64: 2, 16>, scalar_prefetch = 0 : i64, scratch_operands = 4 : i64, tpu.core_type = #tpu.core_type<sc_vector_subcore>, window_params = [{transform_indices = #map}, {transform_indices = #map}, {transform_indices = #map}, {transform_indices = #map}]} {
    %mul3A = arith.constant 2 : i32
    %mul3A_0 = arith.muli %arg1, %mul3A : i32
    %add3A = arith.addi %mul3A_0, %arg0 : i32
    %mul3A_1 = arith.constant 16 : i32
    %mul3A_2 = arith.muli %add3A, %mul3A_1 : i32
    "tpu.region"() ({
      %run_scoped3A = tpu.sem_alloc : memref<!tpu.dma_semaphore, #tpu.memory_space<semaphore_mem>>
      %dma_start3A = arith.constant 0 : i32
      %dma_start3A_78 = tpu.memref_slice %arg6[%dma_start3A] : memref<30816xi32, #tpu.memory_space<vmem>> -> memref<30794xi32, #tpu.memory_space<vmem>>
      %dma_start3A_79 = arith.constant 0 : i32
      %dma_start3A_80 = tpu.memref_slice %arg6[%dma_start3A_79] : memref<30816xi32, #tpu.memory_space<vmem>> -> memref<30794xi32, #tpu.memory_space<vmem>>
      tpu.enqueue_dma source(%arg2 : memref<30794xi32, #tpu.memory_space<hbm>>) target(%dma_start3A_80 : memref<30794xi32, #tpu.memory_space<vmem>>) target_semaphore(%run_scoped3A : memref<!tpu.dma_semaphore, #tpu.memory_space<semaphore_mem>>)
      %dma_wait3A = arith.constant 0 : i32
      %dma_wait3A_81 = tpu.memref_slice %arg6[%dma_wait3A] : memref<30816xi32, #tpu.memory_space<vmem>> -> memref<30794xi32, #tpu.memory_space<vmem>>
      %dma_wait3A_82 = arith.constant 0 : i32
      %dma_wait3A_83 = tpu.memref_slice %arg6[%dma_wait3A_82] : memref<30816xi32, #tpu.memory_space<vmem>> -> memref<30794xi32, #tpu.memory_space<vmem>>
      tpu.wait_dma2 semaphore(%run_scoped3A : memref<!tpu.dma_semaphore, #tpu.memory_space<semaphore_mem>>) src(%arg2 : memref<30794xi32, #tpu.memory_space<hbm>>) dst(%dma_wait3A_83 : memref<30794xi32, #tpu.memory_space<vmem>>)
      tpu.yield
    }) : () -> ()
    "tpu.region"() ({
      %run_scoped3A = tpu.sem_alloc : memref<!tpu.dma_semaphore, #tpu.memory_space<semaphore_mem>>
      %dma_start3A = arith.constant 0 : i32
      %dma_start3A_78 = tpu.memref_slice %arg7[%dma_start3A] : memref<30816xi32, #tpu.memory_space<vmem>> -> memref<30794xi32, #tpu.memory_space<vmem>>
      %dma_start3A_79 = arith.constant 0 : i32
      %dma_start3A_80 = tpu.memref_slice %arg7[%dma_start3A_79] : memref<30816xi32, #tpu.memory_space<vmem>> -> memref<30794xi32, #tpu.memory_space<vmem>>
      tpu.enqueue_dma source(%arg3 : memref<30794xi32, #tpu.memory_space<hbm>>) target(%dma_start3A_80 : memref<30794xi32, #tpu.memory_space<vmem>>) target_semaphore(%run_scoped3A : memref<!tpu.dma_semaphore, #tpu.memory_space<semaphore_mem>>)
      %dma_wait3A = arith.constant 0 : i32
      %dma_wait3A_81 = tpu.memref_slice %arg7[%dma_wait3A] : memref<30816xi32, #tpu.memory_space<vmem>> -> memref<30794xi32, #tpu.memory_space<vmem>>
      %dma_wait3A_82 = arith.constant 0 : i32
      %dma_wait3A_83 = tpu.memref_slice %arg7[%dma_wait3A_82] : memref<30816xi32, #tpu.memory_space<vmem>> -> memref<30794xi32, #tpu.memory_space<vmem>>
      tpu.wait_dma2 semaphore(%run_scoped3A : memref<!tpu.dma_semaphore, #tpu.memory_space<semaphore_mem>>) src(%arg3 : memref<30794xi32, #tpu.memory_space<hbm>>) dst(%dma_wait3A_83 : memref<30794xi32, #tpu.memory_space<vmem>>)
      tpu.yield
    }) : () -> ()
    "tpu.region"() ({
      %run_scoped3A = tpu.sem_alloc : memref<!tpu.dma_semaphore, #tpu.memory_space<semaphore_mem>>
      %dma_start3A = arith.constant 0 : i32
      %dma_start3A_78 = tpu.memref_slice %arg8[%dma_start3A] : memref<30816xf32, #tpu.memory_space<vmem>> -> memref<30794xf32, #tpu.memory_space<vmem>>
      %dma_start3A_79 = arith.constant 0 : i32
      %dma_start3A_80 = tpu.memref_slice %arg8[%dma_start3A_79] : memref<30816xf32, #tpu.memory_space<vmem>> -> memref<30794xf32, #tpu.memory_space<vmem>>
      tpu.enqueue_dma source(%arg4 : memref<30794xf32, #tpu.memory_space<hbm>>) target(%dma_start3A_80 : memref<30794xf32, #tpu.memory_space<vmem>>) target_semaphore(%run_scoped3A : memref<!tpu.dma_semaphore, #tpu.memory_space<semaphore_mem>>)
      %dma_wait3A = arith.constant 0 : i32
      %dma_wait3A_81 = tpu.memref_slice %arg8[%dma_wait3A] : memref<30816xf32, #tpu.memory_space<vmem>> -> memref<30794xf32, #tpu.memory_space<vmem>>
      %dma_wait3A_82 = arith.constant 0 : i32
      %dma_wait3A_83 = tpu.memref_slice %arg8[%dma_wait3A_82] : memref<30816xf32, #tpu.memory_space<vmem>> -> memref<30794xf32, #tpu.memory_space<vmem>>
      tpu.wait_dma2 semaphore(%run_scoped3A : memref<!tpu.dma_semaphore, #tpu.memory_space<semaphore_mem>>) src(%arg4 : memref<30794xf32, #tpu.memory_space<hbm>>) dst(%dma_wait3A_83 : memref<30794xf32, #tpu.memory_space<vmem>>)
      tpu.yield
    }) : () -> ()
    %broadcast_in_dim3A = arith.constant 0.000000e+00 : f32
    %broadcast_in_dim3A_3 = vector.broadcast %broadcast_in_dim3A : f32 to vector<16xf32>
    %scan3A = arith.constant 0 : i32
    %scan3A_4 = arith.constant 0 : i32
    %scan3A_5 = arith.constant 512 : i32
    %scan3A_6 = arith.addi %scan3A_4, %scan3A_5 : i32
    %scan3A_7 = arith.constant 1 : i32
    %scan3A_8 = scf.for %scan3A_78 = %scan3A_4 to %scan3A_6 step %scan3A_7 iter_args(%scan3A_79 = %scan3A) -> (i32)  : i32 {
      %mul3A_80 = arith.constant 16 : i32
      %mul3A_81 = arith.muli %scan3A_78, %mul3A_80 : i32
      %swap3A = arith.index_cast %mul3A_81 : i32 to index
      %swap3A_82 = tpu.vector_load %arg9[%swap3A] {strides = array<i32>} : memref<8192xf32, #tpu.memory_space<vmem>>, vector<16xf32>,
      tpu.vector_store %arg9[%swap3A], %broadcast_in_dim3A_3 {strides = array<i32>} : memref<8192xf32, #tpu.memory_space<vmem>>, vector<16xf32>,
      %scan3A_83 = arith.constant 0 : i32
      scf.yield %scan3A_83 : i32
    }
    %scan3A_9 = arith.constant 512 : i32
    %while3A = arith.constant 0 : i32
    %while3A_10 = arith.constant 30794 : i32
    %while3A_11:2 = scf.while (%while3A_78 = %while3A, %while3A_79 = %while3A_10) : (i32, i32) -> (i32, i32) {
      %lt3A = arith.cmpi slt, %while3A_78, %while3A_79 : i32
      scf.condition(%lt3A) %while3A_78, %while3A_79 : i32, i32
    } do {
    ^bb0(%while3A_78: i32, %while3A_79: i32):
      %add3A_80 = arith.addi %while3A_78, %while3A_79 : i32
      %jit3A_81 = arith.constant 2 : i32
      %div3A_82 = arith.divsi %add3A_80, %jit3A_81 : i32
      %sign3A_83 = arith.constant 0 : i32
      %sign3A_84 = arith.cmpi sgt, %add3A_80, %sign3A_83 : i32
      %sign3A_85 = arith.extui %sign3A_84 : i1 to i32
      %sign3A_86 = arith.constant 0 : i32
      %sign3A_87 = arith.cmpi slt, %add3A_80, %sign3A_86 : i32
      %sign3A_88 = arith.extui %sign3A_87 : i1 to i32
      %sign3A_89 = arith.subi %sign3A_85, %sign3A_88 : i32
      %sign3A_90 = arith.constant 0 : i32
      %sign3A_91 = arith.cmpi sgt, %jit3A_81, %sign3A_90 : i32
      %sign3A_92 = arith.extui %sign3A_91 : i1 to i32
      %sign3A_93 = arith.constant 0 : i32
      %sign3A_94 = arith.cmpi slt, %jit3A_81, %sign3A_93 : i32
      %sign3A_95 = arith.extui %sign3A_94 : i1 to i32
      %sign3A_96 = arith.subi %sign3A_92, %sign3A_95 : i32
      %ne3A_97 = arith.cmpi ne, %sign3A_89, %sign3A_96 : i32
      %rem3A_98 = arith.remsi %add3A_80, %jit3A_81 : i32
      %ne3A_99 = arith.constant 0 : i32
      %ne3A_100 = arith.cmpi ne, %rem3A_98, %ne3A_99 : i32
      %and3A_101 = arith.andi %ne3A_97, %ne3A_100 : i1
      %sub3A_102 = arith.constant 1 : i32
      %sub3A_103 = arith.subi %div3A_82, %sub3A_102 : i32
      %select_n3A_104 = arith.select %and3A_101, %sub3A_103, %div3A_82 : i32
      %get3A = arith.index_cast %select_n3A_104 : i32 to index
      %get3A_105 = tpu.vector_load %arg6[%get3A] {strides = array<i32>} : memref<30816xi32, #tpu.memory_space<vmem>>, vector<16xi32>,
      %slice3A = vector.extract_strided_slice %get3A_105 {offsets = [0], sizes = [1], strides = [1]} : vector<16xi32> to vector<1xi32>
      %squeeze3A = vector.extract %slice3A[0] : i32 from vector<1xi32>
      %lt3A = arith.cmpi slt, %squeeze3A, %mul3A_2 : i32
      %add3A_106 = arith.constant 1 : i32
      %add3A_107 = arith.addi %select_n3A_104, %add3A_106 : i32
      %select_n3A_108 = arith.select %lt3A, %add3A_107, %while3A_78 : i32
      %select_n3A_109 = arith.select %lt3A, %while3A_79, %select_n3A_104 : i32
      scf.yield %select_n3A_108, %select_n3A_109 : i32, i32
    }
    %add3A_12 = arith.constant 16 : i32
    %add3A_13 = arith.addi %mul3A_2, %add3A_12 : i32
    %while3A_14 = arith.constant 0 : i32
    %while3A_15 = arith.constant 30794 : i32
    %while3A_16:2 = scf.while (%while3A_78 = %while3A_14, %while3A_79 = %while3A_15) : (i32, i32) -> (i32, i32) {
      %lt3A = arith.cmpi slt, %while3A_78, %while3A_79 : i32
      scf.condition(%lt3A) %while3A_78, %while3A_79 : i32, i32
    } do {
    ^bb0(%while3A_78: i32, %while3A_79: i32):
      %add3A_80 = arith.addi %while3A_78, %while3A_79 : i32
      %jit3A_81 = arith.constant 2 : i32
      %div3A_82 = arith.divsi %add3A_80, %jit3A_81 : i32
      %sign3A_83 = arith.constant 0 : i32
      %sign3A_84 = arith.cmpi sgt, %add3A_80, %sign3A_83 : i32
      %sign3A_85 = arith.extui %sign3A_84 : i1 to i32
      %sign3A_86 = arith.constant 0 : i32
      %sign3A_87 = arith.cmpi slt, %add3A_80, %sign3A_86 : i32
      %sign3A_88 = arith.extui %sign3A_87 : i1 to i32
      %sign3A_89 = arith.subi %sign3A_85, %sign3A_88 : i32
      %sign3A_90 = arith.constant 0 : i32
      %sign3A_91 = arith.cmpi sgt, %jit3A_81, %sign3A_90 : i32
      %sign3A_92 = arith.extui %sign3A_91 : i1 to i32
      %sign3A_93 = arith.constant 0 : i32
      %sign3A_94 = arith.cmpi slt, %jit3A_81, %sign3A_93 : i32
      %sign3A_95 = arith.extui %sign3A_94 : i1 to i32
      %sign3A_96 = arith.subi %sign3A_92, %sign3A_95 : i32
      %ne3A_97 = arith.cmpi ne, %sign3A_89, %sign3A_96 : i32
      %rem3A_98 = arith.remsi %add3A_80, %jit3A_81 : i32
      %ne3A_99 = arith.constant 0 : i32
      %ne3A_100 = arith.cmpi ne, %rem3A_98, %ne3A_99 : i32
      %and3A_101 = arith.andi %ne3A_97, %ne3A_100 : i1
      %sub3A_102 = arith.constant 1 : i32
      %sub3A_103 = arith.subi %div3A_82, %sub3A_102 : i32
      %select_n3A_104 = arith.select %and3A_101, %sub3A_103, %div3A_82 : i32
      %get3A = arith.index_cast %select_n3A_104 : i32 to index
      %get3A_105 = tpu.vector_load %arg6[%get3A] {strides = array<i32>} : memref<30816xi32, #tpu.memory_space<vmem>>, vector<16xi32>,
      %slice3A = vector.extract_strided_slice %get3A_105 {offsets = [0], sizes = [1], strides = [1]} : vector<16xi32> to vector<1xi32>
      %squeeze3A = vector.extract %slice3A[0] : i32 from vector<1xi32>
      %lt3A = arith.cmpi slt, %squeeze3A, %add3A_13 : i32
      %add3A_106 = arith.constant 1 : i32
      %add3A_107 = arith.addi %select_n3A_104, %add3A_106 : i32
      %select_n3A_108 = arith.select %lt3A, %add3A_107, %while3A_78 : i32
      %select_n3A_109 = arith.select %lt3A, %while3A_79, %select_n3A_104 : i32
      scf.yield %select_n3A_108, %select_n3A_109 : i32, i32
    }
    %jit3A = arith.constant 16 : i32
    %div3A = arith.divsi %while3A_11#0, %jit3A : i32
    %sign3A = arith.constant 0 : i32
    %sign3A_17 = arith.cmpi sgt, %while3A_11#0, %sign3A : i32
    %sign3A_18 = arith.extui %sign3A_17 : i1 to i32
    %sign3A_19 = arith.constant 0 : i32
    %sign3A_20 = arith.cmpi slt, %while3A_11#0, %sign3A_19 : i32
    %sign3A_21 = arith.extui %sign3A_20 : i1 to i32
    %sign3A_22 = arith.subi %sign3A_18, %sign3A_21 : i32
    %sign3A_23 = arith.constant 0 : i32
    %sign3A_24 = arith.cmpi sgt, %jit3A, %sign3A_23 : i32
    %sign3A_25 = arith.extui %sign3A_24 : i1 to i32
    %sign3A_26 = arith.constant 0 : i32
    %sign3A_27 = arith.cmpi slt, %jit3A, %sign3A_26 : i32
    %sign3A_28 = arith.extui %sign3A_27 : i1 to i32
    %sign3A_29 = arith.subi %sign3A_25, %sign3A_28 : i32
    %ne3A = arith.cmpi ne, %sign3A_22, %sign3A_29 : i32
    %rem3A = arith.remsi %while3A_11#0, %jit3A : i32
    %ne3A_30 = arith.constant 0 : i32
    %ne3A_31 = arith.cmpi ne, %rem3A, %ne3A_30 : i32
    %and3A = arith.andi %ne3A, %ne3A_31 : i1
    %sub3A = arith.constant 1 : i32
    %sub3A_32 = arith.subi %div3A, %sub3A : i32
    %select_n3A = arith.select %and3A, %sub3A_32, %div3A : i32
    %mul3A_33 = arith.constant 16 : i32
    %mul3A_34 = arith.muli %select_n3A, %mul3A_33 : i32
    %sub3A_35 = arith.subi %while3A_16#0, %mul3A_34 : i32
    %add3A_36 = arith.constant 16 : i32
    %add3A_37 = arith.addi %sub3A_35, %add3A_36 : i32
    %sub3A_38 = arith.constant 1 : i32
    %sub3A_39 = arith.subi %add3A_37, %sub3A_38 : i32
    %jit3A_40 = arith.constant 16 : i32
    %div3A_41 = arith.divsi %sub3A_39, %jit3A_40 : i32
    %sign3A_42 = arith.constant 0 : i32
    %sign3A_43 = arith.cmpi sgt, %sub3A_39, %sign3A_42 : i32
    %sign3A_44 = arith.extui %sign3A_43 : i1 to i32
    %sign3A_45 = arith.constant 0 : i32
    %sign3A_46 = arith.cmpi slt, %sub3A_39, %sign3A_45 : i32
    %sign3A_47 = arith.extui %sign3A_46 : i1 to i32
    %sign3A_48 = arith.subi %sign3A_44, %sign3A_47 : i32
    %sign3A_49 = arith.constant 0 : i32
    %sign3A_50 = arith.cmpi sgt, %jit3A_40, %sign3A_49 : i32
    %sign3A_51 = arith.extui %sign3A_50 : i1 to i32
    %sign3A_52 = arith.constant 0 : i32
    %sign3A_53 = arith.cmpi slt, %jit3A_40, %sign3A_52 : i32
    %sign3A_54 = arith.extui %sign3A_53 : i1 to i32
    %sign3A_55 = arith.subi %sign3A_51, %sign3A_54 : i32
    %ne3A_56 = arith.cmpi ne, %sign3A_48, %sign3A_55 : i32
    %rem3A_57 = arith.remsi %sub3A_39, %jit3A_40 : i32
    %ne3A_58 = arith.constant 0 : i32
    %ne3A_59 = arith.cmpi ne, %rem3A_57, %ne3A_58 : i32
    %and3A_60 = arith.andi %ne3A_56, %ne3A_59 : i1
    %sub3A_61 = arith.constant 1 : i32
    %sub3A_62 = arith.subi %div3A_41, %sub3A_61 : i32
    %select_n3A_63 = arith.select %and3A_60, %sub3A_62, %div3A_41 : i32
    %iota3A = tpu.iota {dimensions = array<i32: 0>} : vector<16xi32>
    %while3A_64 = arith.constant 0 : i32
    %while3A_65 = arith.constant 0 : i32
    %while3A_66 = arith.subi %select_n3A_63, %while3A_64 : i32
    %while3A_67 = arith.addi %while3A_64, %while3A_66 : i32
    %while3A_68 = arith.constant 1 : i32
    %while3A_69 = arith.divsi %while3A_66, %while3A_68 : i32
    %while3A_70 = arith.muli %while3A_69, %while3A_68 : i32
    %while3A_71 = arith.addi %while3A_64, %while3A_70 : i32
    %while3A_72 = arith.constant 1 : i32
    %while3A_73 = scf.for %while3A_78 = %while3A_64 to %while3A_71 step %while3A_72 iter_args(%while3A_79 = %while3A_65) -> (i32)  : i32 {
      %mul3A_80 = arith.constant 16 : i32
      %mul3A_81 = arith.muli %while3A_78, %mul3A_80 : i32
      %add3A_82 = arith.addi %mul3A_34, %mul3A_81 : i32
      %get3A = arith.index_cast %add3A_82 : i32 to index
      %get3A_83 = tpu.vector_load %arg6[%get3A] {strides = array<i32>} : memref<30816xi32, #tpu.memory_space<vmem>>, vector<16xi32>,
      %get3A_84 = arith.index_cast %add3A_82 : i32 to index
      %get3A_85 = tpu.vector_load %arg7[%get3A_84] {strides = array<i32>} : memref<30816xi32, #tpu.memory_space<vmem>>, vector<16xi32>,
      %get3A_86 = arith.index_cast %add3A_82 : i32 to index
      %get3A_87 = tpu.vector_load %arg8[%get3A_86] {strides = array<i32>} : memref<30816xf32, #tpu.memory_space<vmem>>, vector<16xf32>,
      %ge3A = vector.broadcast %mul3A_2 : i32 to vector<16xi32>
      %ge3A_88 = arith.cmpi sge, %get3A_83, %ge3A : vector<16xi32>
      %add3A_89 = arith.constant 16 : i32
      %add3A_90 = arith.addi %mul3A_2, %add3A_89 : i32
      %lt3A = vector.broadcast %add3A_90 : i32 to vector<16xi32>
      %lt3A_91 = arith.cmpi slt, %get3A_83, %lt3A : vector<16xi32>
      %and3A_92 = arith.andi %ge3A_88, %lt3A_91 : vector<16xi1>
      %add3A_93 = vector.broadcast %add3A_82 : i32 to vector<16xi32>
      %add3A_94 = arith.addi %add3A_93, %iota3A : vector<16xi32>
      %lt3A_95 = arith.constant 30794 : i32
      %lt3A_96 = vector.broadcast %lt3A_95 : i32 to vector<16xi32>
      %lt3A_97 = arith.cmpi slt, %add3A_94, %lt3A_96 : vector<16xi32>
      %and3A_98 = arith.andi %and3A_92, %lt3A_97 : vector<16xi1>
      %sub3A_99 = vector.broadcast %mul3A_2 : i32 to vector<16xi32>
      %sub3A_100 = arith.subi %get3A_83, %sub3A_99 : vector<16xi32>
      %mul3A_101 = arith.constant 512 : i32
      %mul3A_102 = vector.broadcast %mul3A_101 : i32 to vector<16xi32>
      %mul3A_103 = arith.muli %sub3A_100, %mul3A_102 : vector<16xi32>
      %add3A_104 = arith.addi %mul3A_103, %get3A_85 : vector<16xi32>
      tpu.vector_store_idx %arg9[%add3A_104], %get3A_87 masked %and3A_98 : memref<8192xf32, #tpu.memory_space<vmem>>[vector<16xi32>], vector<16xf32>, vector<16xi1>
      %while3A_105 = arith.constant 0 : i32
      scf.yield %while3A_105 : i32
    }
    %while3A_74 = arith.constant 1 : i32
    %while3A_75 = scf.for %while3A_78 = %while3A_71 to %while3A_67 step %while3A_74 iter_args(%while3A_79 = %while3A_73) -> (i32)  : i32 {
      %mul3A_80 = arith.constant 16 : i32
      %mul3A_81 = arith.muli %while3A_78, %mul3A_80 : i32
      %add3A_82 = arith.addi %mul3A_34, %mul3A_81 : i32
      %get3A = arith.index_cast %add3A_82 : i32 to index
      %get3A_83 = tpu.vector_load %arg6[%get3A] {strides = array<i32>} : memref<30816xi32, #tpu.memory_space<vmem>>, vector<16xi32>,
      %get3A_84 = arith.index_cast %add3A_82 : i32 to index
      %get3A_85 = tpu.vector_load %arg7[%get3A_84] {strides = array<i32>} : memref<30816xi32, #tpu.memory_space<vmem>>, vector<16xi32>,
      %get3A_86 = arith.index_cast %add3A_82 : i32 to index
      %get3A_87 = tpu.vector_load %arg8[%get3A_86] {strides = array<i32>} : memref<30816xf32, #tpu.memory_space<vmem>>, vector<16xf32>,
      %ge3A = vector.broadcast %mul3A_2 : i32 to vector<16xi32>
      %ge3A_88 = arith.cmpi sge, %get3A_83, %ge3A : vector<16xi32>
      %add3A_89 = arith.constant 16 : i32
      %add3A_90 = arith.addi %mul3A_2, %add3A_89 : i32
      %lt3A = vector.broadcast %add3A_90 : i32 to vector<16xi32>
      %lt3A_91 = arith.cmpi slt, %get3A_83, %lt3A : vector<16xi32>
      %and3A_92 = arith.andi %ge3A_88, %lt3A_91 : vector<16xi1>
      %add3A_93 = vector.broadcast %add3A_82 : i32 to vector<16xi32>
      %add3A_94 = arith.addi %add3A_93, %iota3A : vector<16xi32>
      %lt3A_95 = arith.constant 30794 : i32
      %lt3A_96 = vector.broadcast %lt3A_95 : i32 to vector<16xi32>
      %lt3A_97 = arith.cmpi slt, %add3A_94, %lt3A_96 : vector<16xi32>
      %and3A_98 = arith.andi %and3A_92, %lt3A_97 : vector<16xi1>
      %sub3A_99 = vector.broadcast %mul3A_2 : i32 to vector<16xi32>
      %sub3A_100 = arith.subi %get3A_83, %sub3A_99 : vector<16xi32>
      %mul3A_101 = arith.constant 512 : i32
      %mul3A_102 = vector.broadcast %mul3A_101 : i32 to vector<16xi32>
      %mul3A_103 = arith.muli %sub3A_100, %mul3A_102 : vector<16xi32>
      %add3A_104 = arith.addi %mul3A_103, %get3A_85 : vector<16xi32>
      tpu.vector_store_idx %arg9[%add3A_104], %get3A_87 masked %and3A_98 : memref<8192xf32, #tpu.memory_space<vmem>>[vector<16xi32>], vector<16xf32>, vector<16xi1>
      %while3A_105 = arith.constant 0 : i32
      scf.yield %while3A_105 : i32
    }
    %mul3A_76 = arith.constant 8192 : i32
    %mul3A_77 = arith.muli %add3A, %mul3A_76 : i32
    "tpu.region"() ({
      %run_scoped3A = tpu.sem_alloc : memref<!tpu.dma_semaphore, #tpu.memory_space<semaphore_mem>>
      %dma_start3A = tpu.memref_slice %arg5[%mul3A_77] : memref<262144xf32, #tpu.memory_space<hbm>> -> memref<8192xf32, #tpu.memory_space<hbm>>
      %dma_start3A_78 = tpu.memref_slice %arg5[%mul3A_77] : memref<262144xf32, #tpu.memory_space<hbm>> -> memref<8192xf32, #tpu.memory_space<hbm>>
      tpu.enqueue_dma source(%arg9 : memref<8192xf32, #tpu.memory_space<vmem>>) target(%dma_start3A_78 : memref<8192xf32, #tpu.memory_space<hbm>>) target_semaphore(%run_scoped3A : memref<!tpu.dma_semaphore, #tpu.memory_space<semaphore_mem>>)
      %dma_wait3A = tpu.memref_slice %arg5[%mul3A_77] : memref<262144xf32, #tpu.memory_space<hbm>> -> memref<8192xf32, #tpu.memory_space<hbm>>
      %dma_wait3A_79 = tpu.memref_slice %arg5[%mul3A_77] : memref<262144xf32, #tpu.memory_space<hbm>> -> memref<8192xf32, #tpu.memory_space<hbm>>
      tpu.wait_dma2 semaphore(%run_scoped3A : memref<!tpu.dma_semaphore, #tpu.memory_space<semaphore_mem>>) src(%arg9 : memref<8192xf32, #tpu.memory_space<vmem>>) dst(%dma_wait3A_79 : memref<8192xf32, #tpu.memory_space<hbm>>)
      tpu.yield
    }) : () -> ()
    return
  }
}

module attributes {stable_mosaic.version = 14 : i64} {
  func.func @_cell_kernel(%arg0: i32, %arg1: memref<512x512xf32, #tpu.memory_space<vmem>>, %arg2: memref<8x65536xf32, #tpu.memory_space<vmem>>, %arg3: memref<8x65536xf32, #tpu.memory_space<vmem>>, %arg4: memref<768x256xbf16, #tpu.memory_space<vmem>>, %arg5: memref<1x256xf32, #tpu.memory_space<vmem>>, %arg6: memref<768x128xbf16, #tpu.memory_space<vmem>>, %arg7: memref<1x128xf32, #tpu.memory_space<vmem>>, %arg8: memref<8x65536xf32, #tpu.memory_space<vmem>>, %arg9: memref<8x65536xf32, #tpu.memory_space<vmem>>, %arg10: memref<512x512xbf16, #tpu.memory_space<vmem>>) attributes {dimension_semantics = [#tpu.dimension_semantics<arbitrary>], iteration_bounds = array<i64: 8>, scalar_prefetch = 0 : i64, scratch_operands = 1 : i64, tpu.core_type = #tpu.core_type<tc>, window_params = [{pipeline_mode = #tpu.pipeline_mode<synchronous>, transform_indices = @transform_0, window_bounds = array<i64: 512, 512>}, {transform_indices = @transform_1, window_bounds = array<i64: 8, 65536>}, {transform_indices = @transform_2, window_bounds = array<i64: 8, 65536>}, {pipeline_mode = #tpu.pipeline_mode<synchronous>, transform_indices = @transform_3, window_bounds = array<i64: 768, 256>}, {pipeline_mode = #tpu.pipeline_mode<synchronous>, transform_indices = @transform_4, window_bounds = array<i64: 1, 256>}, {pipeline_mode = #tpu.pipeline_mode<synchronous>, transform_indices = @transform_5, window_bounds = array<i64: 768, 128>}, {pipeline_mode = #tpu.pipeline_mode<synchronous>, transform_indices = @transform_6, window_bounds = array<i64: 1, 128>}, {transform_indices = @transform_7, window_bounds = array<i64: 8, 65536>}, {transform_indices = @transform_8, window_bounds = array<i64: 8, 65536>}]} {
    %eq3A = arith.constant 0 : i32
    %eq3A_0 = arith.cmpi eq, %arg0, %eq3A : i32
    %convert_element_type3A = arith.extui %eq3A_0 : i1 to i32
    %cond3A = arith.constant 0 : i32
    %cond3A_1 = arith.cmpi ne, %convert_element_type3A, %cond3A : i32
    scf.if %cond3A_1 {
      %get3A_392 = arith.constant 0 : index
      %get3A_393 = arith.constant 0 : index
      %get3A_394 = vector.load %arg1[%get3A_392, %get3A_393] : memref<512x512xf32, #tpu.memory_space<vmem>>, vector<512x512xf32>
      %convert_element_type3A_395 = arith.truncf %get3A_394 : vector<512x512xf32> to vector<512x512xbf16>
      %swap3A_396 = arith.constant 0 : index
      %swap3A_397 = arith.constant 0 : index
      %swap3A_398 = vector.load %arg10[%swap3A_396, %swap3A_397] : memref<512x512xbf16, #tpu.memory_space<vmem>>, vector<512x512xbf16>
      tpu.vector_store %arg10[%swap3A_396, %swap3A_397], %convert_element_type3A_395 {strides = array<i32>} : memref<512x512xbf16, #tpu.memory_space<vmem>>, vector<512x512xbf16>,
    } else {
    }
    %get3A = arith.constant 0 : index
    %get3A_2 = arith.constant 0 : index
    %get3A_3 = vector.load %arg10[%get3A, %get3A_2] : memref<512x512xbf16, #tpu.memory_space<vmem>>, vector<512x512xbf16>
    %get3A_4 = arith.constant 0 : index
    %get3A_5 = arith.constant 0 : index
    %get3A_6 = vector.load %arg2[%get3A_4, %get3A_5] : memref<8x65536xf32, #tpu.memory_space<vmem>>, vector<1x65536xf32>
    %get3A_7 = vector.shape_cast %get3A_6 : vector<1x65536xf32> to vector<65536xf32>
    %reshape3A = vector.shape_cast %get3A_7 : vector<65536xf32> to vector<512x128xf32>
    %convert_element_type3A_8 = arith.truncf %reshape3A : vector<512x128xf32> to vector<512x128xbf16>
    %get3A_9 = arith.constant 1 : index
    %get3A_10 = arith.constant 0 : index
    %get3A_11 = vector.load %arg2[%get3A_9, %get3A_10] : memref<8x65536xf32, #tpu.memory_space<vmem>>, vector<1x65536xf32>
    %get3A_12 = vector.shape_cast %get3A_11 : vector<1x65536xf32> to vector<65536xf32>
    %reshape3A_13 = vector.shape_cast %get3A_12 : vector<65536xf32> to vector<512x128xf32>
    %convert_element_type3A_14 = arith.truncf %reshape3A_13 : vector<512x128xf32> to vector<512x128xbf16>
    %get3A_15 = arith.constant 2 : index
    %get3A_16 = arith.constant 0 : index
    %get3A_17 = vector.load %arg2[%get3A_15, %get3A_16] : memref<8x65536xf32, #tpu.memory_space<vmem>>, vector<1x65536xf32>
    %get3A_18 = vector.shape_cast %get3A_17 : vector<1x65536xf32> to vector<65536xf32>
    %reshape3A_19 = vector.shape_cast %get3A_18 : vector<65536xf32> to vector<512x128xf32>
    %convert_element_type3A_20 = arith.truncf %reshape3A_19 : vector<512x128xf32> to vector<512x128xbf16>
    %get3A_21 = arith.constant 3 : index
    %get3A_22 = arith.constant 0 : index
    %get3A_23 = vector.load %arg2[%get3A_21, %get3A_22] : memref<8x65536xf32, #tpu.memory_space<vmem>>, vector<1x65536xf32>
    %get3A_24 = vector.shape_cast %get3A_23 : vector<1x65536xf32> to vector<65536xf32>
    %reshape3A_25 = vector.shape_cast %get3A_24 : vector<65536xf32> to vector<512x128xf32>
    %convert_element_type3A_26 = arith.truncf %reshape3A_25 : vector<512x128xf32> to vector<512x128xbf16>
    %get3A_27 = arith.constant 4 : index
    %get3A_28 = arith.constant 0 : index
    %get3A_29 = vector.load %arg2[%get3A_27, %get3A_28] : memref<8x65536xf32, #tpu.memory_space<vmem>>, vector<1x65536xf32>
    %get3A_30 = vector.shape_cast %get3A_29 : vector<1x65536xf32> to vector<65536xf32>
    %reshape3A_31 = vector.shape_cast %get3A_30 : vector<65536xf32> to vector<512x128xf32>
    %convert_element_type3A_32 = arith.truncf %reshape3A_31 : vector<512x128xf32> to vector<512x128xbf16>
    %get3A_33 = arith.constant 5 : index
    %get3A_34 = arith.constant 0 : index
    %get3A_35 = vector.load %arg2[%get3A_33, %get3A_34] : memref<8x65536xf32, #tpu.memory_space<vmem>>, vector<1x65536xf32>
    %get3A_36 = vector.shape_cast %get3A_35 : vector<1x65536xf32> to vector<65536xf32>
    %reshape3A_37 = vector.shape_cast %get3A_36 : vector<65536xf32> to vector<512x128xf32>
    %convert_element_type3A_38 = arith.truncf %reshape3A_37 : vector<512x128xf32> to vector<512x128xbf16>
    %get3A_39 = arith.constant 6 : index
    %get3A_40 = arith.constant 0 : index
    %get3A_41 = vector.load %arg2[%get3A_39, %get3A_40] : memref<8x65536xf32, #tpu.memory_space<vmem>>, vector<1x65536xf32>
    %get3A_42 = vector.shape_cast %get3A_41 : vector<1x65536xf32> to vector<65536xf32>
    %reshape3A_43 = vector.shape_cast %get3A_42 : vector<65536xf32> to vector<512x128xf32>
    %convert_element_type3A_44 = arith.truncf %reshape3A_43 : vector<512x128xf32> to vector<512x128xbf16>
    %get3A_45 = arith.constant 7 : index
    %get3A_46 = arith.constant 0 : index
    %get3A_47 = vector.load %arg2[%get3A_45, %get3A_46] : memref<8x65536xf32, #tpu.memory_space<vmem>>, vector<1x65536xf32>
    %get3A_48 = vector.shape_cast %get3A_47 : vector<1x65536xf32> to vector<65536xf32>
    %reshape3A_49 = vector.shape_cast %get3A_48 : vector<65536xf32> to vector<512x128xf32>
    %convert_element_type3A_50 = arith.truncf %reshape3A_49 : vector<512x128xf32> to vector<512x128xbf16>
    %get3A_51 = arith.constant 0 : index
    %get3A_52 = arith.constant 0 : index
    %get3A_53 = vector.load %arg3[%get3A_51, %get3A_52] : memref<8x65536xf32, #tpu.memory_space<vmem>>, vector<1x65536xf32>
    %get3A_54 = vector.shape_cast %get3A_53 : vector<1x65536xf32> to vector<65536xf32>
    %reshape3A_55 = vector.shape_cast %get3A_54 : vector<65536xf32> to vector<512x128xf32>
    %get3A_56 = arith.constant 1 : index
    %get3A_57 = arith.constant 0 : index
    %get3A_58 = vector.load %arg3[%get3A_56, %get3A_57] : memref<8x65536xf32, #tpu.memory_space<vmem>>, vector<1x65536xf32>
    %get3A_59 = vector.shape_cast %get3A_58 : vector<1x65536xf32> to vector<65536xf32>
    %reshape3A_60 = vector.shape_cast %get3A_59 : vector<65536xf32> to vector<512x128xf32>
    %get3A_61 = arith.constant 2 : index
    %get3A_62 = arith.constant 0 : index
    %get3A_63 = vector.load %arg3[%get3A_61, %get3A_62] : memref<8x65536xf32, #tpu.memory_space<vmem>>, vector<1x65536xf32>
    %get3A_64 = vector.shape_cast %get3A_63 : vector<1x65536xf32> to vector<65536xf32>
    %reshape3A_65 = vector.shape_cast %get3A_64 : vector<65536xf32> to vector<512x128xf32>
    %get3A_66 = arith.constant 3 : index
    %get3A_67 = arith.constant 0 : index
    %get3A_68 = vector.load %arg3[%get3A_66, %get3A_67] : memref<8x65536xf32, #tpu.memory_space<vmem>>, vector<1x65536xf32>
    %get3A_69 = vector.shape_cast %get3A_68 : vector<1x65536xf32> to vector<65536xf32>
    %reshape3A_70 = vector.shape_cast %get3A_69 : vector<65536xf32> to vector<512x128xf32>
    %get3A_71 = arith.constant 4 : index
    %get3A_72 = arith.constant 0 : index
    %get3A_73 = vector.load %arg3[%get3A_71, %get3A_72] : memref<8x65536xf32, #tpu.memory_space<vmem>>, vector<1x65536xf32>
    %get3A_74 = vector.shape_cast %get3A_73 : vector<1x65536xf32> to vector<65536xf32>
    %reshape3A_75 = vector.shape_cast %get3A_74 : vector<65536xf32> to vector<512x128xf32>
    %get3A_76 = arith.constant 5 : index
    %get3A_77 = arith.constant 0 : index
    %get3A_78 = vector.load %arg3[%get3A_76, %get3A_77] : memref<8x65536xf32, #tpu.memory_space<vmem>>, vector<1x65536xf32>
    %get3A_79 = vector.shape_cast %get3A_78 : vector<1x65536xf32> to vector<65536xf32>
    %reshape3A_80 = vector.shape_cast %get3A_79 : vector<65536xf32> to vector<512x128xf32>
    %get3A_81 = arith.constant 6 : index
    %get3A_82 = arith.constant 0 : index
    %get3A_83 = vector.load %arg3[%get3A_81, %get3A_82] : memref<8x65536xf32, #tpu.memory_space<vmem>>, vector<1x65536xf32>
    %get3A_84 = vector.shape_cast %get3A_83 : vector<1x65536xf32> to vector<65536xf32>
    %reshape3A_85 = vector.shape_cast %get3A_84 : vector<65536xf32> to vector<512x128xf32>
    %get3A_86 = arith.constant 7 : index
    %get3A_87 = arith.constant 0 : index
    %get3A_88 = vector.load %arg3[%get3A_86, %get3A_87] : memref<8x65536xf32, #tpu.memory_space<vmem>>, vector<1x65536xf32>
    %get3A_89 = vector.shape_cast %get3A_88 : vector<1x65536xf32> to vector<65536xf32>
    %reshape3A_90 = vector.shape_cast %get3A_89 : vector<65536xf32> to vector<512x128xf32>
    %convert_element_type3A_91 = arith.truncf %reshape3A_55 : vector<512x128xf32> to vector<512x128xbf16>
    %convert_element_type3A_92 = arith.truncf %reshape3A_60 : vector<512x128xf32> to vector<512x128xbf16>
    %convert_element_type3A_93 = arith.truncf %reshape3A_65 : vector<512x128xf32> to vector<512x128xbf16>
    %convert_element_type3A_94 = arith.truncf %reshape3A_70 : vector<512x128xf32> to vector<512x128xbf16>
    %convert_element_type3A_95 = arith.truncf %reshape3A_75 : vector<512x128xf32> to vector<512x128xbf16>
    %convert_element_type3A_96 = arith.truncf %reshape3A_80 : vector<512x128xf32> to vector<512x128xbf16>
    %convert_element_type3A_97 = arith.truncf %reshape3A_85 : vector<512x128xf32> to vector<512x128xbf16>
    %convert_element_type3A_98 = arith.truncf %reshape3A_90 : vector<512x128xf32> to vector<512x128xbf16>
    %concatenate3A = tpu.concatenate %convert_element_type3A_8, %convert_element_type3A_14, %convert_element_type3A_20, %convert_element_type3A_26, %convert_element_type3A_32, %convert_element_type3A_38, %convert_element_type3A_44, %convert_element_type3A_50, %convert_element_type3A_91, %convert_element_type3A_92, %convert_element_type3A_93, %convert_element_type3A_94, %convert_element_type3A_95, %convert_element_type3A_96, %convert_element_type3A_97, %convert_element_type3A_98 in 1 : vector<512x128xbf16>, vector<512x128xbf16>, vector<512x128xbf16>, vector<512x128xbf16>, vector<512x128xbf16>, vector<512x128xbf16>, vector<512x128xbf16>, vector<512x128xbf16>, vector<512x128xbf16>, vector<512x128xbf16>, vector<512x128xbf16>, vector<512x128xbf16>, vector<512x128xbf16>, vector<512x128xbf16>, vector<512x128xbf16>, vector<512x128xbf16> -> vector<512x2048xbf16>
    %dot_general3A = arith.constant dense<0.000000e+00> : vector<512x2048xf32>
    %dot_general3A_99 = tpu.matmul %get3A_3, %concatenate3A, %dot_general3A {dimension_numbers = #tpu.dot_dimension_numbers<[1], [0], [0], [1], [0, 0, 1, 1], [], []>, transpose_lhs_hint = false} : vector<512x512xbf16>, vector<512x2048xbf16>, vector<512x2048xf32> -> vector<512x2048xf32>
    %convert_element_type3A_100 = arith.truncf %dot_general3A_99 : vector<512x2048xf32> to vector<512x2048xbf16>
    %dot_general3A_101 = arith.constant dense<0.000000e+00> : vector<512x2048xf32>
    %dot_general3A_102 = tpu.matmul %get3A_3, %convert_element_type3A_100, %dot_general3A_101 {dimension_numbers = #tpu.dot_dimension_numbers<[1], [0], [0], [1], [0, 0, 1, 1], [], []>, transpose_lhs_hint = false} : vector<512x512xbf16>, vector<512x2048xbf16>, vector<512x2048xf32> -> vector<512x2048xf32>
    %convert_element_type3A_103 = arith.truncf %dot_general3A_102 : vector<512x2048xf32> to vector<512x2048xbf16>
    %slice3A = vector.extract_strided_slice %convert_element_type3A_100 {offsets = [0, 0], sizes = [512, 128], strides = [1, 1]} : vector<512x2048xbf16> to vector<512x128xbf16>
    %slice3A_104 = vector.extract_strided_slice %convert_element_type3A_100 {offsets = [0, 1024], sizes = [512, 128], strides = [1, 1]} : vector<512x2048xbf16> to vector<512x128xbf16>
    %slice3A_105 = vector.extract_strided_slice %convert_element_type3A_103 {offsets = [0, 0], sizes = [512, 128], strides = [1, 1]} : vector<512x2048xbf16> to vector<512x128xbf16>
    %slice3A_106 = vector.extract_strided_slice %convert_element_type3A_103 {offsets = [0, 1024], sizes = [512, 128], strides = [1, 1]} : vector<512x2048xbf16> to vector<512x128xbf16>
    %concatenate3A_107 = tpu.concatenate %convert_element_type3A_8, %convert_element_type3A_91, %slice3A, %slice3A_104, %slice3A_105, %slice3A_106 in 1 : vector<512x128xbf16>, vector<512x128xbf16>, vector<512x128xbf16>, vector<512x128xbf16>, vector<512x128xbf16>, vector<512x128xbf16> -> vector<512x768xbf16>
    %slice3A_108 = vector.extract_strided_slice %convert_element_type3A_100 {offsets = [0, 128], sizes = [512, 128], strides = [1, 1]} : vector<512x2048xbf16> to vector<512x128xbf16>
    %slice3A_109 = vector.extract_strided_slice %convert_element_type3A_100 {offsets = [0, 1152], sizes = [512, 128], strides = [1, 1]} : vector<512x2048xbf16> to vector<512x128xbf16>
    %slice3A_110 = vector.extract_strided_slice %convert_element_type3A_103 {offsets = [0, 128], sizes = [512, 128], strides = [1, 1]} : vector<512x2048xbf16> to vector<512x128xbf16>
    %slice3A_111 = vector.extract_strided_slice %convert_element_type3A_103 {offsets = [0, 1152], sizes = [512, 128], strides = [1, 1]} : vector<512x2048xbf16> to vector<512x128xbf16>
    %concatenate3A_112 = tpu.concatenate %convert_element_type3A_14, %convert_element_type3A_92, %slice3A_108, %slice3A_109, %slice3A_110, %slice3A_111 in 1 : vector<512x128xbf16>, vector<512x128xbf16>, vector<512x128xbf16>, vector<512x128xbf16>, vector<512x128xbf16>, vector<512x128xbf16> -> vector<512x768xbf16>
    %slice3A_113 = vector.extract_strided_slice %convert_element_type3A_100 {offsets = [0, 256], sizes = [512, 128], strides = [1, 1]} : vector<512x2048xbf16> to vector<512x128xbf16>
    %slice3A_114 = vector.extract_strided_slice %convert_element_type3A_100 {offsets = [0, 1280], sizes = [512, 128], strides = [1, 1]} : vector<512x2048xbf16> to vector<512x128xbf16>
    %slice3A_115 = vector.extract_strided_slice %convert_element_type3A_103 {offsets = [0, 256], sizes = [512, 128], strides = [1, 1]} : vector<512x2048xbf16> to vector<512x128xbf16>
    %slice3A_116 = vector.extract_strided_slice %convert_element_type3A_103 {offsets = [0, 1280], sizes = [512, 128], strides = [1, 1]} : vector<512x2048xbf16> to vector<512x128xbf16>
    %concatenate3A_117 = tpu.concatenate %convert_element_type3A_20, %convert_element_type3A_93, %slice3A_113, %slice3A_114, %slice3A_115, %slice3A_116 in 1 : vector<512x128xbf16>, vector<512x128xbf16>, vector<512x128xbf16>, vector<512x128xbf16>, vector<512x128xbf16>, vector<512x128xbf16> -> vector<512x768xbf16>
    %slice3A_118 = vector.extract_strided_slice %convert_element_type3A_100 {offsets = [0, 384], sizes = [512, 128], strides = [1, 1]} : vector<512x2048xbf16> to vector<512x128xbf16>
    %slice3A_119 = vector.extract_strided_slice %convert_element_type3A_100 {offsets = [0, 1408], sizes = [512, 128], strides = [1, 1]} : vector<512x2048xbf16> to vector<512x128xbf16>
    %slice3A_120 = vector.extract_strided_slice %convert_element_type3A_103 {offsets = [0, 384], sizes = [512, 128], strides = [1, 1]} : vector<512x2048xbf16> to vector<512x128xbf16>
    %slice3A_121 = vector.extract_strided_slice %convert_element_type3A_103 {offsets = [0, 1408], sizes = [512, 128], strides = [1, 1]} : vector<512x2048xbf16> to vector<512x128xbf16>
    %concatenate3A_122 = tpu.concatenate %convert_element_type3A_26, %convert_element_type3A_94, %slice3A_118, %slice3A_119, %slice3A_120, %slice3A_121 in 1 : vector<512x128xbf16>, vector<512x128xbf16>, vector<512x128xbf16>, vector<512x128xbf16>, vector<512x128xbf16>, vector<512x128xbf16> -> vector<512x768xbf16>
    %slice3A_123 = vector.extract_strided_slice %convert_element_type3A_100 {offsets = [0, 512], sizes = [512, 128], strides = [1, 1]} : vector<512x2048xbf16> to vector<512x128xbf16>
    %slice3A_124 = vector.extract_strided_slice %convert_element_type3A_100 {offsets = [0, 1536], sizes = [512, 128], strides = [1, 1]} : vector<512x2048xbf16> to vector<512x128xbf16>
    %slice3A_125 = vector.extract_strided_slice %convert_element_type3A_103 {offsets = [0, 512], sizes = [512, 128], strides = [1, 1]} : vector<512x2048xbf16> to vector<512x128xbf16>
    %slice3A_126 = vector.extract_strided_slice %convert_element_type3A_103 {offsets = [0, 1536], sizes = [512, 128], strides = [1, 1]} : vector<512x2048xbf16> to vector<512x128xbf16>
    %concatenate3A_127 = tpu.concatenate %convert_element_type3A_32, %convert_element_type3A_95, %slice3A_123, %slice3A_124, %slice3A_125, %slice3A_126 in 1 : vector<512x128xbf16>, vector<512x128xbf16>, vector<512x128xbf16>, vector<512x128xbf16>, vector<512x128xbf16>, vector<512x128xbf16> -> vector<512x768xbf16>
    %slice3A_128 = vector.extract_strided_slice %convert_element_type3A_100 {offsets = [0, 640], sizes = [512, 128], strides = [1, 1]} : vector<512x2048xbf16> to vector<512x128xbf16>
    %slice3A_129 = vector.extract_strided_slice %convert_element_type3A_100 {offsets = [0, 1664], sizes = [512, 128], strides = [1, 1]} : vector<512x2048xbf16> to vector<512x128xbf16>
    %slice3A_130 = vector.extract_strided_slice %convert_element_type3A_103 {offsets = [0, 640], sizes = [512, 128], strides = [1, 1]} : vector<512x2048xbf16> to vector<512x128xbf16>
    %slice3A_131 = vector.extract_strided_slice %convert_element_type3A_103 {offsets = [0, 1664], sizes = [512, 128], strides = [1, 1]} : vector<512x2048xbf16> to vector<512x128xbf16>
    %concatenate3A_132 = tpu.concatenate %convert_element_type3A_38, %convert_element_type3A_96, %slice3A_128, %slice3A_129, %slice3A_130, %slice3A_131 in 1 : vector<512x128xbf16>, vector<512x128xbf16>, vector<512x128xbf16>, vector<512x128xbf16>, vector<512x128xbf16>, vector<512x128xbf16> -> vector<512x768xbf16>
    %slice3A_133 = vector.extract_strided_slice %convert_element_type3A_100 {offsets = [0, 768], sizes = [512, 128], strides = [1, 1]} : vector<512x2048xbf16> to vector<512x128xbf16>
    %slice3A_134 = vector.extract_strided_slice %convert_element_type3A_100 {offsets = [0, 1792], sizes = [512, 128], strides = [1, 1]} : vector<512x2048xbf16> to vector<512x128xbf16>
    %slice3A_135 = vector.extract_strided_slice %convert_element_type3A_103 {offsets = [0, 768], sizes = [512, 128], strides = [1, 1]} : vector<512x2048xbf16> to vector<512x128xbf16>
    %slice3A_136 = vector.extract_strided_slice %convert_element_type3A_103 {offsets = [0, 1792], sizes = [512, 128], strides = [1, 1]} : vector<512x2048xbf16> to vector<512x128xbf16>
    %concatenate3A_137 = tpu.concatenate %convert_element_type3A_44, %convert_element_type3A_97, %slice3A_133, %slice3A_134, %slice3A_135, %slice3A_136 in 1 : vector<512x128xbf16>, vector<512x128xbf16>, vector<512x128xbf16>, vector<512x128xbf16>, vector<512x128xbf16>, vector<512x128xbf16> -> vector<512x768xbf16>
    %slice3A_138 = vector.extract_strided_slice %convert_element_type3A_100 {offsets = [0, 896], sizes = [512, 128], strides = [1, 1]} : vector<512x2048xbf16> to vector<512x128xbf16>
    %slice3A_139 = vector.extract_strided_slice %convert_element_type3A_100 {offsets = [0, 1920], sizes = [512, 128], strides = [1, 1]} : vector<512x2048xbf16> to vector<512x128xbf16>
    %slice3A_140 = vector.extract_strided_slice %convert_element_type3A_103 {offsets = [0, 896], sizes = [512, 128], strides = [1, 1]} : vector<512x2048xbf16> to vector<512x128xbf16>
    %slice3A_141 = vector.extract_strided_slice %convert_element_type3A_103 {offsets = [0, 1920], sizes = [512, 128], strides = [1, 1]} : vector<512x2048xbf16> to vector<512x128xbf16>
    %concatenate3A_142 = tpu.concatenate %convert_element_type3A_50, %convert_element_type3A_98, %slice3A_138, %slice3A_139, %slice3A_140, %slice3A_141 in 1 : vector<512x128xbf16>, vector<512x128xbf16>, vector<512x128xbf16>, vector<512x128xbf16>, vector<512x128xbf16>, vector<512x128xbf16> -> vector<512x768xbf16>
    %concatenate3A_143 = tpu.concatenate %concatenate3A_107, %concatenate3A_112, %concatenate3A_117, %concatenate3A_122, %concatenate3A_127, %concatenate3A_132, %concatenate3A_137, %concatenate3A_142 in 0 : vector<512x768xbf16>, vector<512x768xbf16>, vector<512x768xbf16>, vector<512x768xbf16>, vector<512x768xbf16>, vector<512x768xbf16>, vector<512x768xbf16>, vector<512x768xbf16> -> vector<4096x768xbf16>
    %get3A_144 = arith.constant 0 : index
    %get3A_145 = arith.constant 0 : index
    %get3A_146 = vector.load %arg4[%get3A_144, %get3A_145] : memref<768x256xbf16, #tpu.memory_space<vmem>>, vector<768x256xbf16>
    %dot_general3A_147 = arith.constant dense<0.000000e+00> : vector<4096x256xf32>
    %dot_general3A_148 = tpu.matmul %concatenate3A_143, %get3A_146, %dot_general3A_147 {dimension_numbers = #tpu.dot_dimension_numbers<[1], [0], [0], [1], [0, 0, 1, 1], [], []>, transpose_lhs_hint = false} : vector<4096x768xbf16>, vector<768x256xbf16>, vector<4096x256xf32> -> vector<4096x256xf32>
    %get3A_149 = arith.constant 0 : index
    %get3A_150 = arith.constant 0 : index
    %get3A_151 = vector.load %arg5[%get3A_149, %get3A_150] : memref<1x256xf32, #tpu.memory_space<vmem>>, vector<1x256xf32>
    %get3A_152 = vector.shape_cast %get3A_151 : vector<1x256xf32> to vector<256xf32>
    %broadcast_in_dim3A = vector.shape_cast %get3A_152 : vector<256xf32> to vector<1x256xf32>
    %add3A = vector.broadcast %broadcast_in_dim3A : vector<1x256xf32> to vector<4096x256xf32>
    %add3A_153 = arith.addf %dot_general3A_148, %add3A : vector<4096x256xf32>
    %logistic3A = arith.negf %add3A_153 : vector<4096x256xf32>
    %logistic3A_154 = math.exp %logistic3A : vector<4096x256xf32>
    %logistic3A_155 = arith.constant 1.000000e+00 : f32
    %logistic3A_156 = vector.broadcast %logistic3A_155 : f32 to vector<4096x256xf32>
    %logistic3A_157 = arith.addf %logistic3A_156, %logistic3A_154 : vector<4096x256xf32>
    %logistic3A_158 = arith.divf %logistic3A_156, %logistic3A_157 : vector<4096x256xf32>
    %slice3A_159 = vector.extract_strided_slice %logistic3A_158 {offsets = [0, 128], sizes = [512, 128], strides = [1, 1]} : vector<4096x256xf32> to vector<512x128xf32>
    %slice3A_160 = vector.extract_strided_slice %logistic3A_158 {offsets = [512, 128], sizes = [512, 128], strides = [1, 1]} : vector<4096x256xf32> to vector<512x128xf32>
    %slice3A_161 = vector.extract_strided_slice %logistic3A_158 {offsets = [1024, 128], sizes = [512, 128], strides = [1, 1]} : vector<4096x256xf32> to vector<512x128xf32>
    %slice3A_162 = vector.extract_strided_slice %logistic3A_158 {offsets = [1536, 128], sizes = [512, 128], strides = [1, 1]} : vector<4096x256xf32> to vector<512x128xf32>
    %slice3A_163 = vector.extract_strided_slice %logistic3A_158 {offsets = [2048, 128], sizes = [512, 128], strides = [1, 1]} : vector<4096x256xf32> to vector<512x128xf32>
    %slice3A_164 = vector.extract_strided_slice %logistic3A_158 {offsets = [2560, 128], sizes = [512, 128], strides = [1, 1]} : vector<4096x256xf32> to vector<512x128xf32>
    %slice3A_165 = vector.extract_strided_slice %logistic3A_158 {offsets = [3072, 128], sizes = [512, 128], strides = [1, 1]} : vector<4096x256xf32> to vector<512x128xf32>
    %slice3A_166 = vector.extract_strided_slice %logistic3A_158 {offsets = [3584, 128], sizes = [512, 128], strides = [1, 1]} : vector<4096x256xf32> to vector<512x128xf32>
    %slice3A_167 = vector.extract_strided_slice %logistic3A_158 {offsets = [0, 0], sizes = [512, 128], strides = [1, 1]} : vector<4096x256xf32> to vector<512x128xf32>
    %mul3A = arith.mulf %slice3A_167, %reshape3A_55 : vector<512x128xf32>
    %convert_element_type3A_168 = arith.truncf %mul3A : vector<512x128xf32> to vector<512x128xbf16>
    %slice3A_169 = vector.extract_strided_slice %logistic3A_158 {offsets = [512, 0], sizes = [512, 128], strides = [1, 1]} : vector<4096x256xf32> to vector<512x128xf32>
    %mul3A_170 = arith.mulf %slice3A_169, %reshape3A_60 : vector<512x128xf32>
    %convert_element_type3A_171 = arith.truncf %mul3A_170 : vector<512x128xf32> to vector<512x128xbf16>
    %slice3A_172 = vector.extract_strided_slice %logistic3A_158 {offsets = [1024, 0], sizes = [512, 128], strides = [1, 1]} : vector<4096x256xf32> to vector<512x128xf32>
    %mul3A_173 = arith.mulf %slice3A_172, %reshape3A_65 : vector<512x128xf32>
    %convert_element_type3A_174 = arith.truncf %mul3A_173 : vector<512x128xf32> to vector<512x128xbf16>
    %slice3A_175 = vector.extract_strided_slice %logistic3A_158 {offsets = [1536, 0], sizes = [512, 128], strides = [1, 1]} : vector<4096x256xf32> to vector<512x128xf32>
    %mul3A_176 = arith.mulf %slice3A_175, %reshape3A_70 : vector<512x128xf32>
    %convert_element_type3A_177 = arith.truncf %mul3A_176 : vector<512x128xf32> to vector<512x128xbf16>
    %slice3A_178 = vector.extract_strided_slice %logistic3A_158 {offsets = [2048, 0], sizes = [512, 128], strides = [1, 1]} : vector<4096x256xf32> to vector<512x128xf32>
    %mul3A_179 = arith.mulf %slice3A_178, %reshape3A_75 : vector<512x128xf32>
    %convert_element_type3A_180 = arith.truncf %mul3A_179 : vector<512x128xf32> to vector<512x128xbf16>
    %slice3A_181 = vector.extract_strided_slice %logistic3A_158 {offsets = [2560, 0], sizes = [512, 128], strides = [1, 1]} : vector<4096x256xf32> to vector<512x128xf32>
    %mul3A_182 = arith.mulf %slice3A_181, %reshape3A_80 : vector<512x128xf32>
    %convert_element_type3A_183 = arith.truncf %mul3A_182 : vector<512x128xf32> to vector<512x128xbf16>
    %slice3A_184 = vector.extract_strided_slice %logistic3A_158 {offsets = [3072, 0], sizes = [512, 128], strides = [1, 1]} : vector<4096x256xf32> to vector<512x128xf32>
    %mul3A_185 = arith.mulf %slice3A_184, %reshape3A_85 : vector<512x128xf32>
    %convert_element_type3A_186 = arith.truncf %mul3A_185 : vector<512x128xf32> to vector<512x128xbf16>
    %slice3A_187 = vector.extract_strided_slice %logistic3A_158 {offsets = [3584, 0], sizes = [512, 128], strides = [1, 1]} : vector<4096x256xf32> to vector<512x128xf32>
    %mul3A_188 = arith.mulf %slice3A_187, %reshape3A_90 : vector<512x128xf32>
    %convert_element_type3A_189 = arith.truncf %mul3A_188 : vector<512x128xf32> to vector<512x128xbf16>
    %concatenate3A_190 = tpu.concatenate %convert_element_type3A_168, %convert_element_type3A_171, %convert_element_type3A_174, %convert_element_type3A_177, %convert_element_type3A_180, %convert_element_type3A_183, %convert_element_type3A_186, %convert_element_type3A_189 in 1 : vector<512x128xbf16>, vector<512x128xbf16>, vector<512x128xbf16>, vector<512x128xbf16>, vector<512x128xbf16>, vector<512x128xbf16>, vector<512x128xbf16>, vector<512x128xbf16> -> vector<512x1024xbf16>
    %dot_general3A_191 = arith.constant dense<0.000000e+00> : vector<512x1024xf32>
    %dot_general3A_192 = tpu.matmul %get3A_3, %concatenate3A_190, %dot_general3A_191 {dimension_numbers = #tpu.dot_dimension_numbers<[1], [0], [0], [1], [0, 0, 1, 1], [], []>, transpose_lhs_hint = false} : vector<512x512xbf16>, vector<512x1024xbf16>, vector<512x1024xf32> -> vector<512x1024xf32>
    %convert_element_type3A_193 = arith.truncf %dot_general3A_192 : vector<512x1024xf32> to vector<512x1024xbf16>
    %dot_general3A_194 = arith.constant dense<0.000000e+00> : vector<512x1024xf32>
    %dot_general3A_195 = tpu.matmul %get3A_3, %convert_element_type3A_193, %dot_general3A_194 {dimension_numbers = #tpu.dot_dimension_numbers<[1], [0], [0], [1], [0, 0, 1, 1], [], []>, transpose_lhs_hint = false} : vector<512x512xbf16>, vector<512x1024xbf16>, vector<512x1024xf32> -> vector<512x1024xf32>
    %convert_element_type3A_196 = arith.truncf %dot_general3A_195 : vector<512x1024xf32> to vector<512x1024xbf16>
    %slice3A_197 = vector.extract_strided_slice %convert_element_type3A_100 {offsets = [0, 0], sizes = [512, 128], strides = [1, 1]} : vector<512x2048xbf16> to vector<512x128xbf16>
    %slice3A_198 = vector.extract_strided_slice %convert_element_type3A_193 {offsets = [0, 0], sizes = [512, 128], strides = [1, 1]} : vector<512x1024xbf16> to vector<512x128xbf16>
    %slice3A_199 = vector.extract_strided_slice %convert_element_type3A_103 {offsets = [0, 0], sizes = [512, 128], strides = [1, 1]} : vector<512x2048xbf16> to vector<512x128xbf16>
    %slice3A_200 = vector.extract_strided_slice %convert_element_type3A_196 {offsets = [0, 0], sizes = [512, 128], strides = [1, 1]} : vector<512x1024xbf16> to vector<512x128xbf16>
    %concatenate3A_201 = tpu.concatenate %convert_element_type3A_8, %convert_element_type3A_168, %slice3A_197, %slice3A_198, %slice3A_199, %slice3A_200 in 1 : vector<512x128xbf16>, vector<512x128xbf16>, vector<512x128xbf16>, vector<512x128xbf16>, vector<512x128xbf16>, vector<512x128xbf16> -> vector<512x768xbf16>
    %slice3A_202 = vector.extract_strided_slice %convert_element_type3A_100 {offsets = [0, 128], sizes = [512, 128], strides = [1, 1]} : vector<512x2048xbf16> to vector<512x128xbf16>
    %slice3A_203 = vector.extract_strided_slice %convert_element_type3A_193 {offsets = [0, 128], sizes = [512, 128], strides = [1, 1]} : vector<512x1024xbf16> to vector<512x128xbf16>
    %slice3A_204 = vector.extract_strided_slice %convert_element_type3A_103 {offsets = [0, 128], sizes = [512, 128], strides = [1, 1]} : vector<512x2048xbf16> to vector<512x128xbf16>
    %slice3A_205 = vector.extract_strided_slice %convert_element_type3A_196 {offsets = [0, 128], sizes = [512, 128], strides = [1, 1]} : vector<512x1024xbf16> to vector<512x128xbf16>
    %concatenate3A_206 = tpu.concatenate %convert_element_type3A_14, %convert_element_type3A_171, %slice3A_202, %slice3A_203, %slice3A_204, %slice3A_205 in 1 : vector<512x128xbf16>, vector<512x128xbf16>, vector<512x128xbf16>, vector<512x128xbf16>, vector<512x128xbf16>, vector<512x128xbf16> -> vector<512x768xbf16>
    %slice3A_207 = vector.extract_strided_slice %convert_element_type3A_100 {offsets = [0, 256], sizes = [512, 128], strides = [1, 1]} : vector<512x2048xbf16> to vector<512x128xbf16>
    %slice3A_208 = vector.extract_strided_slice %convert_element_type3A_193 {offsets = [0, 256], sizes = [512, 128], strides = [1, 1]} : vector<512x1024xbf16> to vector<512x128xbf16>
    %slice3A_209 = vector.extract_strided_slice %convert_element_type3A_103 {offsets = [0, 256], sizes = [512, 128], strides = [1, 1]} : vector<512x2048xbf16> to vector<512x128xbf16>
    %slice3A_210 = vector.extract_strided_slice %convert_element_type3A_196 {offsets = [0, 256], sizes = [512, 128], strides = [1, 1]} : vector<512x1024xbf16> to vector<512x128xbf16>
    %concatenate3A_211 = tpu.concatenate %convert_element_type3A_20, %convert_element_type3A_174, %slice3A_207, %slice3A_208, %slice3A_209, %slice3A_210 in 1 : vector<512x128xbf16>, vector<512x128xbf16>, vector<512x128xbf16>, vector<512x128xbf16>, vector<512x128xbf16>, vector<512x128xbf16> -> vector<512x768xbf16>
    %slice3A_212 = vector.extract_strided_slice %convert_element_type3A_100 {offsets = [0, 384], sizes = [512, 128], strides = [1, 1]} : vector<512x2048xbf16> to vector<512x128xbf16>
    %slice3A_213 = vector.extract_strided_slice %convert_element_type3A_193 {offsets = [0, 384], sizes = [512, 128], strides = [1, 1]} : vector<512x1024xbf16> to vector<512x128xbf16>
    %slice3A_214 = vector.extract_strided_slice %convert_element_type3A_103 {offsets = [0, 384], sizes = [512, 128], strides = [1, 1]} : vector<512x2048xbf16> to vector<512x128xbf16>
    %slice3A_215 = vector.extract_strided_slice %convert_element_type3A_196 {offsets = [0, 384], sizes = [512, 128], strides = [1, 1]} : vector<512x1024xbf16> to vector<512x128xbf16>
    %concatenate3A_216 = tpu.concatenate %convert_element_type3A_26, %convert_element_type3A_177, %slice3A_212, %slice3A_213, %slice3A_214, %slice3A_215 in 1 : vector<512x128xbf16>, vector<512x128xbf16>, vector<512x128xbf16>, vector<512x128xbf16>, vector<512x128xbf16>, vector<512x128xbf16> -> vector<512x768xbf16>
    %slice3A_217 = vector.extract_strided_slice %convert_element_type3A_100 {offsets = [0, 512], sizes = [512, 128], strides = [1, 1]} : vector<512x2048xbf16> to vector<512x128xbf16>
    %slice3A_218 = vector.extract_strided_slice %convert_element_type3A_193 {offsets = [0, 512], sizes = [512, 128], strides = [1, 1]} : vector<512x1024xbf16> to vector<512x128xbf16>
    %slice3A_219 = vector.extract_strided_slice %convert_element_type3A_103 {offsets = [0, 512], sizes = [512, 128], strides = [1, 1]} : vector<512x2048xbf16> to vector<512x128xbf16>
    %slice3A_220 = vector.extract_strided_slice %convert_element_type3A_196 {offsets = [0, 512], sizes = [512, 128], strides = [1, 1]} : vector<512x1024xbf16> to vector<512x128xbf16>
    %concatenate3A_221 = tpu.concatenate %convert_element_type3A_32, %convert_element_type3A_180, %slice3A_217, %slice3A_218, %slice3A_219, %slice3A_220 in 1 : vector<512x128xbf16>, vector<512x128xbf16>, vector<512x128xbf16>, vector<512x128xbf16>, vector<512x128xbf16>, vector<512x128xbf16> -> vector<512x768xbf16>
    %slice3A_222 = vector.extract_strided_slice %convert_element_type3A_100 {offsets = [0, 640], sizes = [512, 128], strides = [1, 1]} : vector<512x2048xbf16> to vector<512x128xbf16>
    %slice3A_223 = vector.extract_strided_slice %convert_element_type3A_193 {offsets = [0, 640], sizes = [512, 128], strides = [1, 1]} : vector<512x1024xbf16> to vector<512x128xbf16>
    %slice3A_224 = vector.extract_strided_slice %convert_element_type3A_103 {offsets = [0, 640], sizes = [512, 128], strides = [1, 1]} : vector<512x2048xbf16> to vector<512x128xbf16>
    %slice3A_225 = vector.extract_strided_slice %convert_element_type3A_196 {offsets = [0, 640], sizes = [512, 128], strides = [1, 1]} : vector<512x1024xbf16> to vector<512x128xbf16>
    %concatenate3A_226 = tpu.concatenate %convert_element_type3A_38, %convert_element_type3A_183, %slice3A_222, %slice3A_223, %slice3A_224, %slice3A_225 in 1 : vector<512x128xbf16>, vector<512x128xbf16>, vector<512x128xbf16>, vector<512x128xbf16>, vector<512x128xbf16>, vector<512x128xbf16> -> vector<512x768xbf16>
    %slice3A_227 = vector.extract_strided_slice %convert_element_type3A_100 {offsets = [0, 768], sizes = [512, 128], strides = [1, 1]} : vector<512x2048xbf16> to vector<512x128xbf16>
    %slice3A_228 = vector.extract_strided_slice %convert_element_type3A_193 {offsets = [0, 768], sizes = [512, 128], strides = [1, 1]} : vector<512x1024xbf16> to vector<512x128xbf16>
    %slice3A_229 = vector.extract_strided_slice %convert_element_type3A_103 {offsets = [0, 768], sizes = [512, 128], strides = [1, 1]} : vector<512x2048xbf16> to vector<512x128xbf16>
    %slice3A_230 = vector.extract_strided_slice %convert_element_type3A_196 {offsets = [0, 768], sizes = [512, 128], strides = [1, 1]} : vector<512x1024xbf16> to vector<512x128xbf16>
    %concatenate3A_231 = tpu.concatenate %convert_element_type3A_44, %convert_element_type3A_186, %slice3A_227, %slice3A_228, %slice3A_229, %slice3A_230 in 1 : vector<512x128xbf16>, vector<512x128xbf16>, vector<512x128xbf16>, vector<512x128xbf16>, vector<512x128xbf16>, vector<512x128xbf16> -> vector<512x768xbf16>
    %slice3A_232 = vector.extract_strided_slice %convert_element_type3A_100 {offsets = [0, 896], sizes = [512, 128], strides = [1, 1]} : vector<512x2048xbf16> to vector<512x128xbf16>
    %slice3A_233 = vector.extract_strided_slice %convert_element_type3A_193 {offsets = [0, 896], sizes = [512, 128], strides = [1, 1]} : vector<512x1024xbf16> to vector<512x128xbf16>
    %slice3A_234 = vector.extract_strided_slice %convert_element_type3A_103 {offsets = [0, 896], sizes = [512, 128], strides = [1, 1]} : vector<512x2048xbf16> to vector<512x128xbf16>
    %slice3A_235 = vector.extract_strided_slice %convert_element_type3A_196 {offsets = [0, 896], sizes = [512, 128], strides = [1, 1]} : vector<512x1024xbf16> to vector<512x128xbf16>
    %concatenate3A_236 = tpu.concatenate %convert_element_type3A_50, %convert_element_type3A_189, %slice3A_232, %slice3A_233, %slice3A_234, %slice3A_235 in 1 : vector<512x128xbf16>, vector<512x128xbf16>, vector<512x128xbf16>, vector<512x128xbf16>, vector<512x128xbf16>, vector<512x128xbf16> -> vector<512x768xbf16>
    %concatenate3A_237 = tpu.concatenate %concatenate3A_201, %concatenate3A_206, %concatenate3A_211, %concatenate3A_216, %concatenate3A_221, %concatenate3A_226, %concatenate3A_231, %concatenate3A_236 in 0 : vector<512x768xbf16>, vector<512x768xbf16>, vector<512x768xbf16>, vector<512x768xbf16>, vector<512x768xbf16>, vector<512x768xbf16>, vector<512x768xbf16>, vector<512x768xbf16> -> vector<4096x768xbf16>
    %get3A_238 = arith.constant 0 : index
    %get3A_239 = arith.constant 0 : index
    %get3A_240 = vector.load %arg6[%get3A_238, %get3A_239] : memref<768x128xbf16, #tpu.memory_space<vmem>>, vector<768x128xbf16>
    %dot_general3A_241 = arith.constant dense<0.000000e+00> : vector<4096x128xf32>
    %dot_general3A_242 = tpu.matmul %concatenate3A_237, %get3A_240, %dot_general3A_241 {dimension_numbers = #tpu.dot_dimension_numbers<[1], [0], [0], [1], [0, 0, 1, 1], [], []>, transpose_lhs_hint = false} : vector<4096x768xbf16>, vector<768x128xbf16>, vector<4096x128xf32> -> vector<4096x128xf32>
    %get3A_243 = arith.constant 0 : index
    %get3A_244 = arith.constant 0 : index
    %get3A_245 = vector.load %arg7[%get3A_243, %get3A_244] : memref<1x128xf32, #tpu.memory_space<vmem>>, vector<1x128xf32>
    %get3A_246 = vector.shape_cast %get3A_245 : vector<1x128xf32> to vector<128xf32>
    %broadcast_in_dim3A_247 = vector.shape_cast %get3A_246 : vector<128xf32> to vector<1x128xf32>
    %add3A_248 = vector.broadcast %broadcast_in_dim3A_247 : vector<1x128xf32> to vector<4096x128xf32>
    %add3A_249 = arith.addf %dot_general3A_242, %add3A_248 : vector<4096x128xf32>
    %tanh3A = math.tanh %add3A_249 : vector<4096x128xf32>
    %mul3A_250 = arith.mulf %slice3A_159, %reshape3A_55 : vector<512x128xf32>
    %sub3A = arith.constant 1.000000e+00 : f32
    %sub3A_251 = vector.broadcast %sub3A : f32 to vector<512x128xf32>
    %sub3A_252 = arith.subf %sub3A_251, %slice3A_159 : vector<512x128xf32>
    %slice3A_253 = vector.extract_strided_slice %tanh3A {offsets = [0, 0], sizes = [512, 128], strides = [1, 1]} : vector<4096x128xf32> to vector<512x128xf32>
    %mul3A_254 = arith.mulf %sub3A_252, %slice3A_253 : vector<512x128xf32>
    %add3A_255 = arith.addf %mul3A_250, %mul3A_254 : vector<512x128xf32>
    %reshape3A_256 = vector.shape_cast %add3A_255 : vector<512x128xf32> to vector<65536xf32>
    %swap3A = arith.constant 0 : index
    %swap3A_257 = arith.constant 0 : index
    %swap3A_258 = vector.load %arg8[%swap3A, %swap3A_257] : memref<8x65536xf32, #tpu.memory_space<vmem>>, vector<1x65536xf32>
    %swap3A_259 = vector.shape_cast %swap3A_258 : vector<1x65536xf32> to vector<65536xf32>
    %swap3A_260 = vector.shape_cast %reshape3A_256 : vector<65536xf32> to vector<1x65536xf32>
    tpu.vector_store %arg8[%swap3A, %swap3A_257], %swap3A_260 {strides = array<i32>} : memref<8x65536xf32, #tpu.memory_space<vmem>>, vector<1x65536xf32>,
    %swap3A_261 = arith.constant 0 : index
    %swap3A_262 = arith.constant 0 : index
    %swap3A_263 = vector.load %arg9[%swap3A_261, %swap3A_262] : memref<8x65536xf32, #tpu.memory_space<vmem>>, vector<1x65536xf32>
    %swap3A_264 = vector.shape_cast %swap3A_263 : vector<1x65536xf32> to vector<65536xf32>
    %swap3A_265 = vector.shape_cast %reshape3A_256 : vector<65536xf32> to vector<1x65536xf32>
    tpu.vector_store %arg9[%swap3A_261, %swap3A_262], %swap3A_265 {strides = array<i32>} : memref<8x65536xf32, #tpu.memory_space<vmem>>, vector<1x65536xf32>,
    %mul3A_266 = arith.mulf %slice3A_160, %reshape3A_60 : vector<512x128xf32>
    %sub3A_267 = arith.constant 1.000000e+00 : f32
    %sub3A_268 = vector.broadcast %sub3A_267 : f32 to vector<512x128xf32>
    %sub3A_269 = arith.subf %sub3A_268, %slice3A_160 : vector<512x128xf32>
    %slice3A_270 = vector.extract_strided_slice %tanh3A {offsets = [512, 0], sizes = [512, 128], strides = [1, 1]} : vector<4096x128xf32> to vector<512x128xf32>
    %mul3A_271 = arith.mulf %sub3A_269, %slice3A_270 : vector<512x128xf32>
    %add3A_272 = arith.addf %mul3A_266, %mul3A_271 : vector<512x128xf32>
    %reshape3A_273 = vector.shape_cast %add3A_272 : vector<512x128xf32> to vector<65536xf32>
    %swap3A_274 = arith.constant 1 : index
    %swap3A_275 = arith.constant 0 : index
    %swap3A_276 = vector.load %arg8[%swap3A_274, %swap3A_275] : memref<8x65536xf32, #tpu.memory_space<vmem>>, vector<1x65536xf32>
    %swap3A_277 = vector.shape_cast %swap3A_276 : vector<1x65536xf32> to vector<65536xf32>
    %swap3A_278 = vector.shape_cast %reshape3A_273 : vector<65536xf32> to vector<1x65536xf32>
    tpu.vector_store %arg8[%swap3A_274, %swap3A_275], %swap3A_278 {strides = array<i32>} : memref<8x65536xf32, #tpu.memory_space<vmem>>, vector<1x65536xf32>,
    %swap3A_279 = arith.constant 1 : index
    %swap3A_280 = arith.constant 0 : index
    %swap3A_281 = vector.load %arg9[%swap3A_279, %swap3A_280] : memref<8x65536xf32, #tpu.memory_space<vmem>>, vector<1x65536xf32>
    %swap3A_282 = vector.shape_cast %swap3A_281 : vector<1x65536xf32> to vector<65536xf32>
    %swap3A_283 = vector.shape_cast %reshape3A_273 : vector<65536xf32> to vector<1x65536xf32>
    tpu.vector_store %arg9[%swap3A_279, %swap3A_280], %swap3A_283 {strides = array<i32>} : memref<8x65536xf32, #tpu.memory_space<vmem>>, vector<1x65536xf32>,
    %mul3A_284 = arith.mulf %slice3A_161, %reshape3A_65 : vector<512x128xf32>
    %sub3A_285 = arith.constant 1.000000e+00 : f32
    %sub3A_286 = vector.broadcast %sub3A_285 : f32 to vector<512x128xf32>
    %sub3A_287 = arith.subf %sub3A_286, %slice3A_161 : vector<512x128xf32>
    %slice3A_288 = vector.extract_strided_slice %tanh3A {offsets = [1024, 0], sizes = [512, 128], strides = [1, 1]} : vector<4096x128xf32> to vector<512x128xf32>
    %mul3A_289 = arith.mulf %sub3A_287, %slice3A_288 : vector<512x128xf32>
    %add3A_290 = arith.addf %mul3A_284, %mul3A_289 : vector<512x128xf32>
    %reshape3A_291 = vector.shape_cast %add3A_290 : vector<512x128xf32> to vector<65536xf32>
    %swap3A_292 = arith.constant 2 : index
    %swap3A_293 = arith.constant 0 : index
    %swap3A_294 = vector.load %arg8[%swap3A_292, %swap3A_293] : memref<8x65536xf32, #tpu.memory_space<vmem>>, vector<1x65536xf32>
    %swap3A_295 = vector.shape_cast %swap3A_294 : vector<1x65536xf32> to vector<65536xf32>
    %swap3A_296 = vector.shape_cast %reshape3A_291 : vector<65536xf32> to vector<1x65536xf32>
    tpu.vector_store %arg8[%swap3A_292, %swap3A_293], %swap3A_296 {strides = array<i32>} : memref<8x65536xf32, #tpu.memory_space<vmem>>, vector<1x65536xf32>,
    %swap3A_297 = arith.constant 2 : index
    %swap3A_298 = arith.constant 0 : index
    %swap3A_299 = vector.load %arg9[%swap3A_297, %swap3A_298] : memref<8x65536xf32, #tpu.memory_space<vmem>>, vector<1x65536xf32>
    %swap3A_300 = vector.shape_cast %swap3A_299 : vector<1x65536xf32> to vector<65536xf32>
    %swap3A_301 = vector.shape_cast %reshape3A_291 : vector<65536xf32> to vector<1x65536xf32>
    tpu.vector_store %arg9[%swap3A_297, %swap3A_298], %swap3A_301 {strides = array<i32>} : memref<8x65536xf32, #tpu.memory_space<vmem>>, vector<1x65536xf32>,
    %mul3A_302 = arith.mulf %slice3A_162, %reshape3A_70 : vector<512x128xf32>
    %sub3A_303 = arith.constant 1.000000e+00 : f32
    %sub3A_304 = vector.broadcast %sub3A_303 : f32 to vector<512x128xf32>
    %sub3A_305 = arith.subf %sub3A_304, %slice3A_162 : vector<512x128xf32>
    %slice3A_306 = vector.extract_strided_slice %tanh3A {offsets = [1536, 0], sizes = [512, 128], strides = [1, 1]} : vector<4096x128xf32> to vector<512x128xf32>
    %mul3A_307 = arith.mulf %sub3A_305, %slice3A_306 : vector<512x128xf32>
    %add3A_308 = arith.addf %mul3A_302, %mul3A_307 : vector<512x128xf32>
    %reshape3A_309 = vector.shape_cast %add3A_308 : vector<512x128xf32> to vector<65536xf32>
    %swap3A_310 = arith.constant 3 : index
    %swap3A_311 = arith.constant 0 : index
    %swap3A_312 = vector.load %arg8[%swap3A_310, %swap3A_311] : memref<8x65536xf32, #tpu.memory_space<vmem>>, vector<1x65536xf32>
    %swap3A_313 = vector.shape_cast %swap3A_312 : vector<1x65536xf32> to vector<65536xf32>
    %swap3A_314 = vector.shape_cast %reshape3A_309 : vector<65536xf32> to vector<1x65536xf32>
    tpu.vector_store %arg8[%swap3A_310, %swap3A_311], %swap3A_314 {strides = array<i32>} : memref<8x65536xf32, #tpu.memory_space<vmem>>, vector<1x65536xf32>,
    %swap3A_315 = arith.constant 3 : index
    %swap3A_316 = arith.constant 0 : index
    %swap3A_317 = vector.load %arg9[%swap3A_315, %swap3A_316] : memref<8x65536xf32, #tpu.memory_space<vmem>>, vector<1x65536xf32>
    %swap3A_318 = vector.shape_cast %swap3A_317 : vector<1x65536xf32> to vector<65536xf32>
    %swap3A_319 = vector.shape_cast %reshape3A_309 : vector<65536xf32> to vector<1x65536xf32>
    tpu.vector_store %arg9[%swap3A_315, %swap3A_316], %swap3A_319 {strides = array<i32>} : memref<8x65536xf32, #tpu.memory_space<vmem>>, vector<1x65536xf32>,
    %mul3A_320 = arith.mulf %slice3A_163, %reshape3A_75 : vector<512x128xf32>
    %sub3A_321 = arith.constant 1.000000e+00 : f32
    %sub3A_322 = vector.broadcast %sub3A_321 : f32 to vector<512x128xf32>
    %sub3A_323 = arith.subf %sub3A_322, %slice3A_163 : vector<512x128xf32>
    %slice3A_324 = vector.extract_strided_slice %tanh3A {offsets = [2048, 0], sizes = [512, 128], strides = [1, 1]} : vector<4096x128xf32> to vector<512x128xf32>
    %mul3A_325 = arith.mulf %sub3A_323, %slice3A_324 : vector<512x128xf32>
    %add3A_326 = arith.addf %mul3A_320, %mul3A_325 : vector<512x128xf32>
    %reshape3A_327 = vector.shape_cast %add3A_326 : vector<512x128xf32> to vector<65536xf32>
    %swap3A_328 = arith.constant 4 : index
    %swap3A_329 = arith.constant 0 : index
    %swap3A_330 = vector.load %arg8[%swap3A_328, %swap3A_329] : memref<8x65536xf32, #tpu.memory_space<vmem>>, vector<1x65536xf32>
    %swap3A_331 = vector.shape_cast %swap3A_330 : vector<1x65536xf32> to vector<65536xf32>
    %swap3A_332 = vector.shape_cast %reshape3A_327 : vector<65536xf32> to vector<1x65536xf32>
    tpu.vector_store %arg8[%swap3A_328, %swap3A_329], %swap3A_332 {strides = array<i32>} : memref<8x65536xf32, #tpu.memory_space<vmem>>, vector<1x65536xf32>,
    %swap3A_333 = arith.constant 4 : index
    %swap3A_334 = arith.constant 0 : index
    %swap3A_335 = vector.load %arg9[%swap3A_333, %swap3A_334] : memref<8x65536xf32, #tpu.memory_space<vmem>>, vector<1x65536xf32>
    %swap3A_336 = vector.shape_cast %swap3A_335 : vector<1x65536xf32> to vector<65536xf32>
    %swap3A_337 = vector.shape_cast %reshape3A_327 : vector<65536xf32> to vector<1x65536xf32>
    tpu.vector_store %arg9[%swap3A_333, %swap3A_334], %swap3A_337 {strides = array<i32>} : memref<8x65536xf32, #tpu.memory_space<vmem>>, vector<1x65536xf32>,
    %mul3A_338 = arith.mulf %slice3A_164, %reshape3A_80 : vector<512x128xf32>
    %sub3A_339 = arith.constant 1.000000e+00 : f32
    %sub3A_340 = vector.broadcast %sub3A_339 : f32 to vector<512x128xf32>
    %sub3A_341 = arith.subf %sub3A_340, %slice3A_164 : vector<512x128xf32>
    %slice3A_342 = vector.extract_strided_slice %tanh3A {offsets = [2560, 0], sizes = [512, 128], strides = [1, 1]} : vector<4096x128xf32> to vector<512x128xf32>
    %mul3A_343 = arith.mulf %sub3A_341, %slice3A_342 : vector<512x128xf32>
    %add3A_344 = arith.addf %mul3A_338, %mul3A_343 : vector<512x128xf32>
    %reshape3A_345 = vector.shape_cast %add3A_344 : vector<512x128xf32> to vector<65536xf32>
    %swap3A_346 = arith.constant 5 : index
    %swap3A_347 = arith.constant 0 : index
    %swap3A_348 = vector.load %arg8[%swap3A_346, %swap3A_347] : memref<8x65536xf32, #tpu.memory_space<vmem>>, vector<1x65536xf32>
    %swap3A_349 = vector.shape_cast %swap3A_348 : vector<1x65536xf32> to vector<65536xf32>
    %swap3A_350 = vector.shape_cast %reshape3A_345 : vector<65536xf32> to vector<1x65536xf32>
    tpu.vector_store %arg8[%swap3A_346, %swap3A_347], %swap3A_350 {strides = array<i32>} : memref<8x65536xf32, #tpu.memory_space<vmem>>, vector<1x65536xf32>,
    %swap3A_351 = arith.constant 5 : index
    %swap3A_352 = arith.constant 0 : index
    %swap3A_353 = vector.load %arg9[%swap3A_351, %swap3A_352] : memref<8x65536xf32, #tpu.memory_space<vmem>>, vector<1x65536xf32>
    %swap3A_354 = vector.shape_cast %swap3A_353 : vector<1x65536xf32> to vector<65536xf32>
    %swap3A_355 = vector.shape_cast %reshape3A_345 : vector<65536xf32> to vector<1x65536xf32>
    tpu.vector_store %arg9[%swap3A_351, %swap3A_352], %swap3A_355 {strides = array<i32>} : memref<8x65536xf32, #tpu.memory_space<vmem>>, vector<1x65536xf32>,
    %mul3A_356 = arith.mulf %slice3A_165, %reshape3A_85 : vector<512x128xf32>
    %sub3A_357 = arith.constant 1.000000e+00 : f32
    %sub3A_358 = vector.broadcast %sub3A_357 : f32 to vector<512x128xf32>
    %sub3A_359 = arith.subf %sub3A_358, %slice3A_165 : vector<512x128xf32>
    %slice3A_360 = vector.extract_strided_slice %tanh3A {offsets = [3072, 0], sizes = [512, 128], strides = [1, 1]} : vector<4096x128xf32> to vector<512x128xf32>
    %mul3A_361 = arith.mulf %sub3A_359, %slice3A_360 : vector<512x128xf32>
    %add3A_362 = arith.addf %mul3A_356, %mul3A_361 : vector<512x128xf32>
    %reshape3A_363 = vector.shape_cast %add3A_362 : vector<512x128xf32> to vector<65536xf32>
    %swap3A_364 = arith.constant 6 : index
    %swap3A_365 = arith.constant 0 : index
    %swap3A_366 = vector.load %arg8[%swap3A_364, %swap3A_365] : memref<8x65536xf32, #tpu.memory_space<vmem>>, vector<1x65536xf32>
    %swap3A_367 = vector.shape_cast %swap3A_366 : vector<1x65536xf32> to vector<65536xf32>
    %swap3A_368 = vector.shape_cast %reshape3A_363 : vector<65536xf32> to vector<1x65536xf32>
    tpu.vector_store %arg8[%swap3A_364, %swap3A_365], %swap3A_368 {strides = array<i32>} : memref<8x65536xf32, #tpu.memory_space<vmem>>, vector<1x65536xf32>,
    %swap3A_369 = arith.constant 6 : index
    %swap3A_370 = arith.constant 0 : index
    %swap3A_371 = vector.load %arg9[%swap3A_369, %swap3A_370] : memref<8x65536xf32, #tpu.memory_space<vmem>>, vector<1x65536xf32>
    %swap3A_372 = vector.shape_cast %swap3A_371 : vector<1x65536xf32> to vector<65536xf32>
    %swap3A_373 = vector.shape_cast %reshape3A_363 : vector<65536xf32> to vector<1x65536xf32>
    tpu.vector_store %arg9[%swap3A_369, %swap3A_370], %swap3A_373 {strides = array<i32>} : memref<8x65536xf32, #tpu.memory_space<vmem>>, vector<1x65536xf32>,
    %mul3A_374 = arith.mulf %slice3A_166, %reshape3A_90 : vector<512x128xf32>
    %sub3A_375 = arith.constant 1.000000e+00 : f32
    %sub3A_376 = vector.broadcast %sub3A_375 : f32 to vector<512x128xf32>
    %sub3A_377 = arith.subf %sub3A_376, %slice3A_166 : vector<512x128xf32>
    %slice3A_378 = vector.extract_strided_slice %tanh3A {offsets = [3584, 0], sizes = [512, 128], strides = [1, 1]} : vector<4096x128xf32> to vector<512x128xf32>
    %mul3A_379 = arith.mulf %sub3A_377, %slice3A_378 : vector<512x128xf32>
    %add3A_380 = arith.addf %mul3A_374, %mul3A_379 : vector<512x128xf32>
    %reshape3A_381 = vector.shape_cast %add3A_380 : vector<512x128xf32> to vector<65536xf32>
    %swap3A_382 = arith.constant 7 : index
    %swap3A_383 = arith.constant 0 : index
    %swap3A_384 = vector.load %arg8[%swap3A_382, %swap3A_383] : memref<8x65536xf32, #tpu.memory_space<vmem>>, vector<1x65536xf32>
    %swap3A_385 = vector.shape_cast %swap3A_384 : vector<1x65536xf32> to vector<65536xf32>
    %swap3A_386 = vector.shape_cast %reshape3A_381 : vector<65536xf32> to vector<1x65536xf32>
    tpu.vector_store %arg8[%swap3A_382, %swap3A_383], %swap3A_386 {strides = array<i32>} : memref<8x65536xf32, #tpu.memory_space<vmem>>, vector<1x65536xf32>,
    %swap3A_387 = arith.constant 7 : index
    %swap3A_388 = arith.constant 0 : index
    %swap3A_389 = vector.load %arg9[%swap3A_387, %swap3A_388] : memref<8x65536xf32, #tpu.memory_space<vmem>>, vector<1x65536xf32>
    %swap3A_390 = vector.shape_cast %swap3A_389 : vector<1x65536xf32> to vector<65536xf32>
    %swap3A_391 = vector.shape_cast %reshape3A_381 : vector<65536xf32> to vector<1x65536xf32>
    tpu.vector_store %arg9[%swap3A_387, %swap3A_388], %swap3A_391 {strides = array<i32>} : memref<8x65536xf32, #tpu.memory_space<vmem>>, vector<1x65536xf32>,
    return
  }
  func.func @transform_0(%arg0: i32) -> (i32, i32) {
    %c0_i32 = arith.constant 0 : i32
    %c0_i32_0 = arith.constant 0 : i32
    %c0_i32_1 = arith.constant 0 : i32
    return %c0_i32, %c0_i32_0 : i32, i32
  }
  func.func @transform_1(%arg0: i32) -> (i32, i32) {
    %c0_i32 = arith.constant 0 : i32
    %c0_i32_0 = arith.constant 0 : i32
    return %arg0, %c0_i32 : i32, i32
  }
  func.func @transform_2(%arg0: i32) -> (i32, i32) {
    %c0_i32 = arith.constant 0 : i32
    %c0_i32_0 = arith.constant 0 : i32
    return %arg0, %c0_i32 : i32, i32
  }
  func.func @transform_3(%arg0: i32) -> (i32, i32) {
    %c0_i32 = arith.constant 0 : i32
    %c0_i32_0 = arith.constant 0 : i32
    %c0_i32_1 = arith.constant 0 : i32
    return %c0_i32, %c0_i32_0 : i32, i32
  }
  func.func @transform_4(%arg0: i32) -> (i32, i32) {
    %c0_i32 = arith.constant 0 : i32
    %c0_i32_0 = arith.constant 0 : i32
    %c0_i32_1 = arith.constant 0 : i32
    return %c0_i32, %c0_i32_0 : i32, i32
  }
  func.func @transform_5(%arg0: i32) -> (i32, i32) {
    %c0_i32 = arith.constant 0 : i32
    %c0_i32_0 = arith.constant 0 : i32
    %c0_i32_1 = arith.constant 0 : i32
    return %c0_i32, %c0_i32_0 : i32, i32
  }
  func.func @transform_6(%arg0: i32) -> (i32, i32) {
    %c0_i32 = arith.constant 0 : i32
    %c0_i32_0 = arith.constant 0 : i32
    %c0_i32_1 = arith.constant 0 : i32
    return %c0_i32, %c0_i32_0 : i32, i32
  }
  func.func @transform_7(%arg0: i32) -> (i32, i32) {
    %c0_i32 = arith.constant 0 : i32
    %c0_i32_0 = arith.constant 0 : i32
    return %arg0, %c0_i32 : i32, i32
  }
  func.func @transform_8(%arg0: i32) -> (i32, i32) {
    %c0_i32 = arith.constant 0 : i32
    %c0_i32_0 = arith.constant 0 : i32
    return %arg0, %c0_i32 : i32, i32
  }
}

</mosaic_0001>

<sc_bundles>
// kernel: kernel.4.cloned.1.call-start
scs
__scs_entry_jumppad:
0x0: {  	(pc) =	sbr.rel $0x88, $3  }
0x1: {  	(tag) =	ssettag $0x0;
	lr =	simm.s32 $0x1  }
0x2: {  	[smem:$0x3F98] =	sst lr;
	_ =	strace $0xD0000000  }
0x3: {  	_ = 	snop  }
0x4: {  	_ = 	snop  }
0x5: {  	_ = 	snop  }
0x6: {  	_ = 	snop  }
0x7: {  	_ = 	snop  }
__scs_overlays_trampoline_lowered:
0x8: {  	[smem:$0x3FA7] =	sst s0  }
0x9: {  	[smem:$0x3FA8] =	sst s1  }
0xa: {  	[smem:$0x3FA9] =	sst s2  }
0xb: {  	[smem:$0x3FAA] =	sst s3  }
0xc: {  	[smem:$0x3FAB] =	sst s4  }
0xd: {  	[smem:$0x3FAC] =	sst s5  }
0xe: {  	[smem:$0x3FAD] =	sst s6  }
0xf: {  	[smem:$0x3FAE] =	sst s7  }
0x10: {  	[smem:$0x3FAF] =	sst s8  }
0x11: {  	[smem:$0x3FB0] =	sst s9;
	s0 =	simm.s32 @!p0 $0x0  }
0x12: {  	s1 =	sld [smem:$0x3F96];
	s0 =	simm.s32 @p0 $0x1  }
0x13: {  	[smem:$0x3FB1] =	sst s0;
	s0 =	simm.s32 @!p1 $0x0  }
0x14: {  	s2 =	sld [smem:$0x3F95];
	s0 =	simm.s32 @p1 $0x1  }
0x15: {  	[smem:$0x3FB2] =	sst s0;
	s0 =	simm.s32 @!p2 $0x0  }
0x16: {  	s3 =	sld [smem:$0x3FDB];
	s0 =	simm.s32 @p2 $0x1  }
0x17: {  	s4 =	simm.s32 $0x1BF5;
	[smem:$0x3FB4] =	sst s0  }
0x18: {  	s0 =	sld [smem:$0x3F97];
	_ =	swait.ge [sflag:s4], $0x0  }
0x19: {  	s7 =	sld [smem:$0x3F98]  }
0x1a: {  	s8 =	sadd.s32 $0xFFFFE003, lr  }
0x1b: {  	s9 =	sadd.s32 $0xFFFFFEF7, lr;
	s5 =	simm.s32 $0xFFFFFFFF;
	p2 =	slt.u32 s8, $0xFFFFF086  }
0x1c: {  	p1 =	slt.u32 s9, $0xF7A;
	s5 =	simm.s32 @!p2 $0x0  }
0x1d: {  	s5 =	simm.s32 @p1 $0x1;
	p0 =	seq.s32 s7, s2  }
0x1e: {  	s7 =	smul.u32 @!p0 $0xF7A, s2;
	p2 =	seq.s32 @!p0 s5, $0x0  }
0x1f: {  	s9 =	smul.u32 $0xF7A, s1;
	s8 =	simm.s32 @!p0 $0x1BF5;
	p2 =	por !p2, p0  }
0x20: {  	[sflag:s8] =	ssyncset.s32 @!p0 $0xFFFFF086;
	s6 =	sadd.s32 @!p0 s3, s7;
	s7 =	simm.s32 @!p0 $0x108  }
0x21: {  	s3 =	sadd.s32 s3, s9;
	s6 =	sadd.s32 @!p0 $0x88, s6;
	s7 =	simm.s32 @p2 $0x1082  }
0x22: {  	[simem:s7], [sflag:s8] =	dma.local @!p0 [hbm:s6], $0xF7A  }
0x23: {  	s9 =	sor.u32 $0xD0000000, s2;
	s6 =	simm.s32 $0x108;
	_ =	swait.ge @!p0 [sflag:s8], $0x0  }
0x24: {  	s3 =	sadd.s32 $0x88, s3;
	s6 =	simm.s32 @!p1 $0x1082;
	[sflag:s4] =	ssyncset.s32 $0xFFFFF086  }
0x25: {  	[simem:s6], [sflag:s4] =	dma.local [hbm:s3], $0xF7A  }
0x26: {  	[smem:$0x3F98] =	sst s1;
	(tag) =	ssettag s2;
	_ =	strace s9  }
0x27: {  	s1 =	sld [smem:$0x3FA8]  }
0x28: {  	s2 =	sld [smem:$0x3FA9]  }
0x29: {  	s4 =	sld [smem:$0x3FAB]  }
0x2a: {  	p0 =	seq.s32 s5, $0x0;
	s5 =	sld [smem:$0x3FAC]  }
0x2b: {  	s6 =	sld [smem:$0x3FAD]  }
0x2c: {  	s7 =	sld [smem:$0x3FAE]  }
0x2d: {  	s3 =	simm.s32 $0x108;
	s8 =	sld [smem:$0x3FAF]  }
0x2e: {  	s3 =	simm.s32 @!p0 $0x1082;
	s9 =	sld [smem:$0x3FB0]  }
0x2f: {  	lr =	sadd.s32 s0, s3;
	s0 =	sld [smem:$0x3FA7]  }
0x30: {  	s3 =	sld [smem:$0x3FAA]  }
0x31: {  	[smem:$0x3FB3] =	sst s10  }
0x32: {  	s10 =	sld [smem:$0x3FB1];
	_ =	sdelay $0x3  }
0x33: {  	p0 =	seq.s32 s10, $0x1;
	s10 =	sld [smem:$0x3FB3];
	_ =	sdelay $0x3  }
0x34: {  	[smem:$0x3FB3] =	sst s10  }
0x35: {  	s10 =	sld [smem:$0x3FB2];
	_ =	sdelay $0x3  }
0x36: {  	p1 =	seq.s32 s10, $0x1;
	s10 =	sld [smem:$0x3FB3];
	_ =	sdelay $0x3  }
0x37: {  	[smem:$0x3FB3] =	sst s10  }
0x38: {  	s10 =	sld [smem:$0x3FB4]  }
0x39: {  	_ = 	snop;
	(pc) =	sbr.ind lr, $3  }
0x3a: {  	_ = 	snop  }
0x3b: {  	_ = 	snop  }
0x3c: {  	p2 =	seq.s32 s10, $0x1;
	s10 =	sld [smem:$0x3FB3]  }
0x3d: {  	_ =	shalt  }
0x3e: {  	_ =	shalt  }
0x3f: {  	_ =	shalt  }
0x40: {  	_ =	shalt  }
0x41: {  	_ =	shalt  }
0x42: {  	_ =	shalt  }
0x43: {  	_ =	shalt  }
0x44: {  	_ =	shalt  }
0x45: {  	_ =	shalt  }
0x46: {  	_ =	shalt  }
0x47: {  	_ =	shalt  }
0x48: {  	_ =	shalt  }
0x49: {  	_ =	shalt  }
0x4a: {  	_ =	shalt  }
0x4b: {  	_ =	shalt  }
0x4c: {  	_ =	shalt  }
0x4d: {  	_ =	shalt  }
0x4e: {  	_ =	shalt  }
0x4f: {  	_ =	shalt  }
0x50: {  	_ =	shalt  }
0x51: {  	_ =	shalt  }
0x52: {  	_ =	shalt  }
0x53: {  	_ =	shalt  }
0x54: {  	_ =	shalt  }
0x55: {  	_ =	shalt  }
0x56: {  	_ =	shalt  }
0x57: {  	_ =	shalt  }
0x58: {  	_ =	shalt  }
0x59: {  	_ =	shalt  }
0x5a: {  	_ =	shalt  }
0x5b: {  	_ =	shalt  }
0x5c: {  	_ =	shalt  }
0x5d: {  	_ =	shalt  }
0x5e: {  	_ =	shalt  }
0x5f: {  	_ =	shalt  }
0x60: {  	_ =	shalt  }
0x61: {  	_ =	shalt  }
0x62: {  	_ =	shalt  }
0x63: {  	_ =	shalt  }
0x64: {  	_ =	shalt  }
0x65: {  	_ =	shalt  }
0x66: {  	_ =	shalt  }
0x67: {  	_ =	shalt  }
0x68: {  	_ =	shalt  }
0x69: {  	_ =	shalt  }
0x6a: {  	_ =	shalt  }
0x6b: {  	_ =	shalt  }
0x6c: {  	_ =	shalt  }
0x6d: {  	_ =	shalt  }
0x6e: {  	_ =	shalt  }
0x6f: {  	_ =	shalt  }
0x70: {  	_ =	shalt  }
0x71: {  	_ =	shalt  }
0x72: {  	_ =	shalt  }
0x73: {  	_ =	shalt  }
0x74: {  	_ =	shalt  }
0x75: {  	_ =	shalt  }
0x76: {  	_ =	shalt  }
0x77: {  	_ =	shalt  }
0x78: {  	_ =	shalt  }
0x79: {  	_ =	shalt  }
0x7a: {  	_ =	shalt  }
0x7b: {  	_ =	shalt  }
0x7c: {  	_ =	shalt  }
0x7d: {  	_ =	shalt  }
0x7e: {  	_ =	shalt  }
0x7f: {  	_ =	shalt  }
0x80: {  	_ =	shalt  }
0x81: {  	_ =	shalt  }
0x82: {  	_ =	shalt  }
0x83: {  	_ =	shalt  }
0x84: {  	_ =	shalt  }
0x85: {  	_ =	shalt  }
0x86: {  	_ =	shalt  }
0x87: {  	_ =	shalt  }
.Lfunc_end0:
.L_simem_size_0:
called_computation_lowered:
.L_overlay_start_0:
0x88: {  	s2 =	sld [smem:$0x3FD9]  }
0x89: {  	s3 =	sld [smem:$0x3FFE];
	_ =	sdelay $0x1  }
0x8a: {  	s1 =	srdreg.scid  }
0x8b: {  	s0 =	sand.u32 $0x1, s1  }
0x8c: {  	s15 =	sshll.u32 s0, $0xA;
	s2 =	sadd.s32 s3, s2  }
0x8d: {  	s2 =	sadd.s32 s2, s15  }
0x8e: {  	[smem:$0x3FBF] =	sst s2  }
0x8f: {  	_ = 	snop  }
0x90: {  	s2 =	sld [smem:$0x3FD0]  }
0x91: {  	s16 =	sld [smem:$0x3FC3]  }
0x92: {  	s4 =	sld [smem:$0x3FC2]  }
0x93: {  	s6 =	simm.s32 $0xA;
	s7 =	simm.s32 $0x10;
	s5 =	sld [smem:$0x3FC1]  }
0x94: {  	[smem:s7], [sflag:s6] =	dma.local [hbm:s2], $0x1  }
0x95: {  	_ =	swait.eq [sflag:s6], $0x1  }
0x96: {  	[sflag:s6] =	ssyncset.done $0x0  }
0x97: {  	[sflag:s6] =	ssyncadd.s32 $0xFFFFFFFF  }
0x98: {  	s17 =	sld [smem:$0x11];
	(tm) =	ssettm $0x1  }
0x99: {  	s18 =	sld [smem:$0x3FFB];
	_ =	sdelay $0x3  }
0x9a: {  	_ =	strace s18  }
0x9b: {  	s6 =	sld [smem:$0x3FFC];
	_ =	sdelay $0x3  }
0x9c: {  	_ =	strace s6  }
0x9d: {  	s6 =	sld [smem:$0x3FFD];
	_ =	sdelay $0x3  }
0x9e: {  	_ =	strace s6  }
0x9f: {  	_ =	strace $0x8FFFFFFF  }
0xa0: {  	s19 =	sld [smem:$0x3FDB];
	_ =	sdelay $0x1  }
0xa1: {  	s20 =	simm.s32 $_scs_section_size  }
0xa2: {  	s8 =	simm.s32 $_size__tile_overlayer_lowered;
	s9 =	simm.s32 $_tile_overlayer_lowered  }
0xa3: {  	s23 =	simm.s32 $0x1BFF;
	s22 =	sshll.u32 s9, $0x1;
	s6 =	sadd.s32 s20, s19  }
0xa4: {  	s10 =	simm.s32 $0x0;
	s21 =	sshll.u32 s8, $0x1;
	s8 =	sadd.s32 s22, s6  }
0xa5: {  	[timem:s10], [sflag:s23] =	dma.local [hbm:s8], s21  }
0xa6: {  	_ =	swait.ge [sflag:s23], s21  }
0xa7: {  	s7 =	ssub.s32 $0x0, s21;
	[sflag:s23] =	ssyncset.done $0x0  }
0xa8: {  	[sflag:s23] =	ssyncadd.s32 s7;
	_ =	sdelay $0x1  }
0xa9: {  	s24 =	simm.s32 $0x1B8B  }
0xaa: {  	_ =	swait.ge [sflag:s24], $0x1  }
0xab: {  	[sflag:s24] =	ssyncset.done $0x0  }
0xac: {  	s25 =	simm.s32 $0x1B8E;
	[sflag:s24] =	ssyncadd.s32 $0xFFFFFFFF  }
0xad: {  	s26 =	simm.s32 $execute0_lowered;
	[smem:$0x3FD2] =	sst s25  }
0xae: {  	s7 =	sshll.u32 s26, $0x1;
	_ =	strace $0x80000046;
	[dreg:$0x1] =	wrdreg $0xFFFFFFFF  }
0xaf: {  	s28 =	simm.s32 $_size_execute0_lowered;
	s6 =	sadd.s32 s6, s7;
	[dreg:$0x0] =	wrdreg $0x0  }
0xb0: {  	s7 =	sshll.u32 s28, $0x1;
	[dreg:$0x2] =	wrdreg s6  }
0xb1: {  	[dreg:$0x3] =	wrdreg s7  }
0xb2: {  	[dreg:$0x4] =	wrdreg $0xC0  }
0xb3: {  	_ =	task [dreg:s10], $0x5FFFF  }
0xb4: {  	[dreg:$0x1] =	wrdreg $0xFFFFFFFF  }
0xb5: {  	[dreg:$0x0] =	wrdreg $0x60  }
0xb6: {  	[dreg:$0x2] =	wrdreg s16  }
0xb7: {  	[dreg:$0x3] =	wrdreg s4  }
0xb8: {  	[dreg:$0x4] =	wrdreg s5  }
0xb9: {  	[dreg:$0x5] =	wrdreg s17  }
0xba: {  	[dreg:$0x6] =	wrdreg $0x9  }
0xbb: {  	_ =	task.clear_ibuf [dreg:s10], $0x7FFFF;
	_ =	strace $0x90000046  }
0xbc: {  	s29 =	simm.s32 $0x9;
	_ =	strace $0x80000048  }
0xbd: {  	_ =	swait.ge [sflag:s29], $0x1  }
0xbe: {  	[sflag:s29] =	ssyncadd.s32 $0xFFFFFFFF  }
0xbf: {  	_ =	strace $0x90000048  }
0xc0: {  	_ =	sfence  }
0xc1: {  	s30 =	sld [smem:$0x0];
	_ =	sdelay $0x2  }
0xc2: {  	s31 =	sshll.u32 s1, $0xD;
	s1 =	sshrl.u32 s1, $0x2  }
0xc3: {  	s3 =	sand.u32 $0x4000, s31;
	s1 =	sadd.s32 s1, s30  }
0xc4: {  	s0 =	sor.u32 s3, s0;
	s1 =	sshll.u32 s1, $0x11  }
0xc5: {  	s0 =	sor.u32 s1, s0  }
0xc6: {  	s0 =	sadd.s32 $0x8F2B, s0  }
0xc7: {  	[sflag:s0] =	ssyncadd.remote.s32 $0x1  }
0xc8: {  	_ =	sfence.sel $0xFFFF  }
0xc9: {  	[dreg:$0x0] =	wrdreg $0xFFFFFFFF;
	(pc) =	sbr.abs _section_cstart, $3  }
0xca: {  	[dreg:$0x1] =	wrdreg $0xFFFFFFFF  }
0xcb: {  	_ =	task.clear_ibuf [dreg:s10], $0x2FFFF;
	_ =	strace $0x9FFFFFFF  }
0xcc: {  	(tm) =	ssettm $0x7FFFFFFF  }
0xcd: {  	_ =	shalt  }
tec
execute0_lowered:
.L_overlay_start_1:
0x0: {  	(tag) =	ssettag $0x1  }
0x1: {  	s1 =	rddreg [dreg:$0x0]  }
0x2: {  	s2 =	rddreg [dreg:$0x1]  }
0x3: {  	s3 =	rddreg [dreg:$0x2]  }
0x4: {  	s8 =	rddreg [dreg:$0x3]  }
0x5: {  	s0 =	rddreg [dreg:$0x4];
	s5 =	simm.s32 $0x0  }
0x6: {  	s6 =	srdreg.scid;
	s4 =	stileid.u32;
	s12 =	simm.s32 $0xF100  }
0x7: {  	s13 =	simm.s32 $0x16980;
	s14 =	simm.s32 $0x0;
	[smem:$0x7FF] =	sst s5  }
.Ltmp0:
0x8: {  	s6 =	sand.u32 $0x1, s6;
	s7 =	sshll.u32 s4, $0x1;
	(pc) =	sbr.rel .LBB2_1-.Ltmp0, $4  }
0x9: {  	v0 =	vlaneseq.u32;
	_ =	strace $0x80000047;
	s9 =	ssub.s32 $0x2, s6;
	s7 =	sor.u32 s6, s7  }
0xa: {  	v3 =	vmul.u32 $0xFFFFFFFF, v0;
	s10 =	sshrl.u32 s9, $0x1;
	s6 =	sshll.u32 s7, $0x4;
	s11 =	sshll.u32 s7, $0xA  }
0xb: {  	v2 =	vimm.f32 $0.0e+00;
	s9 =	ssub.s32 s9, s10;
	s7 =	sadd.s32 $0x10, s6;
	s8 =	sadd.s32 s8, s11  }
0xc: {  	v3 =	vadd.s32 $0x784A, v3;
	v0 =	vmov s6;
	s10 =	simm.s32 $0x1;
	s11 =	simm.s32 $0x7880;
	s9 =	smax.u32 s9, $0x1;
	v1 =	vmov s7  }
.LBB2_8:
0xd: {  	s19 =	smov.u32 s17;
	s20 =	smov.u32 s15;
	s18 =	smov.u32 s16  }
.LBB2_12:
0xe: {  	s19 =	sadd.s32 @p0 $0x10, s19  }
0xf: {  	s17 =	smov.u32 @p0 s19;
	s19 =	sadd.s32 @p0 $0x10, s20  }
0x10: {  	v5 =	vld [tilespmem:s17+$0x0];
	s15 =	smov.u32 @p0 s19  }
0x11: {  	v6 =	vmov s15  }
0x12: {  	vm0 =	vlt.s32 v4, v1;
	vm1 =	vlt.s32 v6, v3  }
0x13: {  	vm2 =	vge.s32 v4, v0;
	v4 =	vsub.s32 v4, v0;
	s15 =	sadd.s32 @p0 $0x10, s18;
	vm0 =	vmand vm0, vm1  }
0x14: {  	v4 =	vshll.u32 v4, $0x9;
	s16 =	smov.u32 @p0 s15;
	vm0 =	vmand vm0, vm2  }
0x15: {  	v63 =	vld [tilespmem:s16+$0x0];
	v4 =	vadd.s32 v5, v4;
	_ =	sdelay $0x4  }
0x16: {  	[tilespmem:v4+s13+$0x0] =	vst.idx.msk vm0, v63  }
.LBB2_13:
0x17: {  	s14 =	sadd.s32 $0x1, s14  }
0x18: {  	p0 =	sne.s32 s14, s9  }
.Ltmp1:
0x19: {  	_ = 	snop;
	(pc) =	sbr.rel @!p0 .LBB2_14-.Ltmp1, $4  }
0x1a: {  	[hbm4b:s8+s5] =	stream.linear.scatter [tilespmem:s13], [sflag:$0x1], $0x2000, $0x38;
	[tilespmem:$0x18980] =	vst v63  }
0x1b: {  	_ =	swait.ge [sflag:s10], $0x2000  }
0x1c: {  	[sflag:s10] =	ssyncset.done $0x0  }
0x1d: {  	[sflag:s10] =	ssyncadd.s32 $0xFFFFE000  }
.LBB2_1:
0x1e: {  	[tilespmem:s5], [sflag:$0x1] =	stream.linear.gather [hbm4b:s1+s5], $0x784A, $0x38;
	[tilespmem:$0x18980] =	vst v63  }
0x1f: {  	_ =	swait.ge [sflag:s10], $0x784A  }
0x20: {  	[sflag:s10] =	ssyncset.done $0x0  }
0x21: {  	[sflag:s10] =	ssyncadd.s32 $0xFFFF87B6  }
0x22: {  	[tilespmem:s11], [sflag:$0x1] =	stream.linear.gather [hbm4b:s2+s5], $0x784A, $0x38;
	[tilespmem:$0x18980] =	vst v63  }
0x23: {  	_ =	swait.ge [sflag:s10], $0x784A  }
0x24: {  	[sflag:s10] =	ssyncset.done $0x0  }
0x25: {  	[sflag:s10] =	ssyncadd.s32 $0xFFFF87B6  }
0x26: {  	[tilespmem:s12], [sflag:$0x1] =	stream.linear.gather [hbm4b:s3+s5], $0x784A, $0x38;
	[tilespmem:$0x18980] =	vst v63  }
0x27: {  	_ =	swait.ge [sflag:s10], $0x784A  }
0x28: {  	s15 =	simm.s32 $0x40;
	[sflag:s10] =	ssyncset.done $0x0  }
0x29: {  	s16 =	simm.s32 $0x0;
	s17 =	simm.s32 $0x784A;
	[sflag:s10] =	ssyncadd.s32 $0xFFFF87B6  }
.LBB2_2:
0x2a: {  	p0 =	sne.s32 s15, $0x7FC0;
	[tilespmem:s16+$0x16980] =	vst v2;
	s16 =	smov.u32 s15;
	s15 =	sadd.s32 $0x40, s15  }
.Ltmp2:
0x2b: {  	(pc) =	sbr.rel @p0 .LBB2_2-.Ltmp2, $2  }
0x2c: {  	_ =	sdelay $0x2  }
0x2d: {  	s16 =	sshra.s32 s16, $0x2  }
0x2e: {  	[tilespmem:s16+$0x16980] =	vst v2;
	s16 =	simm.s32 $0x0;
	s18 =	simm.s32 $0x784A;
	s15 =	simm.s32 $0x0  }
.LBB2_4:
0x2f: {  	s29 =	sadd.s32 s15, s18  }
0x30: {  	s20 =	sand.u32 $0x1, s29  }
0x31: {  	p0 =	slt.s32 s29, $0x1;
	p1 =	seq.s32 s20, $0x1  }
0x32: {  	s19 =	smov.u32 s18;
	s30 =	sshrl.u32 s29, $0x1F;
	p0 =	por !p0, !p1  }
0x33: {  	s18 =	sadd.s32 s30, s29;
	s20 =	simm.s32 $0x1;
	p0 =	por !p0, !p0  }
0x34: {  	s18 =	sshra.s32 s18, $0x1;
	s20 =	simm.s32 @!p0 $0x0  }
0x35: {  	s18 =	ssub.s32 s18, s20  }
0x36: {  	v4 =	vld [tilespmem:s18+$0x0];
	_ =	sdelay $0x4  }
0x37: {  	(v2sf) =	vpush v4, $0x0;
	_ =	sdelay $0xe  }
0x38: {  	s31 =	spop (v2sf)  }
0x39: {  	s20 =	sadd.s32 $0x1, s18;
	p0 =	slt.s32 s31, s6  }
0x3a: {  	s15 =	smov.u32 @p0 s20;
	s18 =	smov.u32 @p0 s19  }
0x3b: {  	p0 =	slt.s32 s15, s18  }
.Ltmp3:
0x3c: {  	_ = 	snop;
	(pc) =	sbr.rel @p0 .LBB2_4-.Ltmp3, $1  }
0x3d: {  	_ =	sdelay $0x3  }
.LBB2_5:
0x3e: {  	s29 =	sadd.s32 s16, s17  }
0x3f: {  	s19 =	sand.u32 $0x1, s29  }
0x40: {  	p0 =	slt.s32 s29, $0x1;
	p1 =	seq.s32 s19, $0x1  }
0x41: {  	s18 =	smov.u32 s17;
	s30 =	sshrl.u32 s29, $0x1F;
	p0 =	por !p0, !p1  }
0x42: {  	s17 =	sadd.s32 s30, s29;
	s19 =	simm.s32 $0x1;
	p0 =	por !p0, !p0  }
0x43: {  	s17 =	sshra.s32 s17, $0x1;
	s19 =	simm.s32 @!p0 $0x0  }
0x44: {  	s17 =	ssub.s32 s17, s19  }
0x45: {  	v4 =	vld [tilespmem:s17+$0x0];
	_ =	sdelay $0x4  }
0x46: {  	(v2sf) =	vpush v4, $0x0;
	_ =	sdelay $0xe  }
0x47: {  	s31 =	spop (v2sf)  }
0x48: {  	s19 =	sadd.s32 $0x1, s17;
	p0 =	slt.s32 s31, s7  }
0x49: {  	s16 =	smov.u32 @p0 s19;
	s17 =	smov.u32 @p0 s18  }
0x4a: {  	p0 =	slt.s32 s16, s17  }
.Ltmp4:
0x4b: {  	_ = 	snop;
	(pc) =	sbr.rel @p0 .LBB2_5-.Ltmp4, $1  }
0x4c: {  	_ =	sdelay $0x3  }
0x4d: {  	s17 =	sand.u32 $0xF, s15  }
0x4e: {  	s18 =	sshra.s32 s15, $0x1F;
	p0 =	slt.s32 s15, $0x1;
	p1 =	sne.s32 s17, $0x0  }
0x4f: {  	s28 =	sshrl.u32 s18, $0x1C;
	p0 =	por !p0, !p1  }
0x50: {  	s17 =	simm.s32 $0x1;
	s29 =	sadd.s32 s28, s15;
	p0 =	por !p0, !p0  }
0x51: {  	s15 =	sshra.s32 s29, $0x4;
	s17 =	simm.s32 @!p0 $0x0  }
0x52: {  	s17 =	ssub.s32 s15, s17  }
0x53: {  	s15 =	sshll.u32 s17, $0x4  }
0x54: {  	s16 =	ssub.s32 s16, s15  }
0x55: {  	s16 =	sadd.s32 $0xF, s16  }
0x56: {  	s30 =	sand.u32 $0xF, s16  }
0x57: {  	s31 =	sshra.s32 s16, $0x1F;
	p6 =	slt.s32 s16, $0x1;
	p5 =	sne.s32 s30, $0x0  }
0x58: {  	s18 =	sshrl.u32 s31, $0x1C;
	p0 =	por !p6, !p5  }
0x59: {  	s16 =	sadd.s32 s18, s16;
	s18 =	simm.s32 $0x1;
	p0 =	por !p0, !p0  }
0x5a: {  	s16 =	sshra.s32 s16, $0x4;
	s18 =	simm.s32 @!p0 $0x0  }
0x5b: {  	s19 =	ssub.s32 s16, s18  }
0x5c: {  	p0 =	slt.s32 s19, $0x1  }
.Ltmp5:
0x5d: {  	_ = 	snop;
	(pc) =	sbr.rel @p0 .LBB2_13-.Ltmp5, $1  }
0x5e: {  	_ =	sdelay $0x3  }
0x5f: {  	p1 =	sne.s32 s19, $0x1  }
.Ltmp6:
0x60: {  	_ = 	snop;
	(pc) =	sbr.rel @!p1 .LBB2_8-.Ltmp6, $4  }
0x61: {  	_ = 	snop  }
0x62: {  	s16 =	sshll.u32 s17, $0x6  }
0x63: {  	s19 =	sadd.s32 $0xFFFFFFFF, s19;
	s18 =	sshra.s32 s16, $0x2  }
0x64: {  	p0 =	por $0x0, $0x0;
	s17 =	sadd.s32 $0x7880, s18;
	s16 =	sadd.s32 $0xF100, s18;
	v4 =	vld [tilespmem:s18+$0x0]  }
0x65: {  	_ =	sdelay $0x1  }
0x66: {  	v5 =	vld [tilespmem:s17+$0x0]  }
0x67: {  	v6 =	vmov s15  }
0x68: {  	vm1 =	vlt.s32 v6, v3;
	vm0 =	vlt.s32 v4, v1  }
0x69: {  	vm2 =	vge.s32 v4, v0;
	v4 =	vsub.s32 v4, v0;
	vm0 =	vmand vm0, vm1  }
0x6a: {  	v4 =	vshll.u32 v4, $0x9;
	vm0 =	vmand vm0, vm2  }
0x6b: {  	v6 =	vld [tilespmem:s16+$0x0];
	v4 =	vadd.s32 v5, v4  }
0x6c: {  	p1 =	sne.s32 s19, $0x1  }
.Ltmp7:
0x6d: {  	_ = 	snop;
	(pc) =	sbr.rel @!p1 .LBB2_10-.Ltmp7, $3  }
0x6e: {  	_ =	sdelay $0x1  }
0x6f: {  	s21 =	sadd.s32 $0x10, s18;
	s22 =	sadd.s32 $0xFFFFFFFF, s19;
	p0 =	por $0x1, $0x1;
	[tilespmem:v4+s13+$0x0] =	vst.idx.msk vm0, v6  }
0x70: {  	s19 =	smov.u32 s17;
	s20 =	smov.u32 s15;
	s18 =	smov.u32 s16;
	v4 =	vld [tilespmem:s21+$0x0]  }
.LBB2_11:
0x71: {  	p1 =	sne.s32 s22, $0x1  }
0x72: {  	s19 =	sadd.s32 $0x10, s19  }
0x73: {  	s20 =	sadd.s32 $0x10, s20;
	v5 =	vld [tilespmem:s19+$0x0]  }
0x74: {  	v6 =	vmov s20  }
0x75: {  	vm0 =	vlt.s32 v4, v1;
	vm1 =	vlt.s32 v6, v3  }
0x76: {  	vm2 =	vge.s32 v4, v0;
	v4 =	vsub.s32 v4, v0;
	vm0 =	vmand vm0, vm1  }
0x77: {  	s18 =	sadd.s32 $0x10, s18;
	v4 =	vshll.u32 v4, $0x9;
	vm0 =	vmand vm0, vm2  }
0x78: {  	v6 =	vld [tilespmem:s18+$0x0];
	v4 =	vadd.s32 v5, v4;
	_ =	sdelay $0x1  }
.Ltmp8:
0x79: {  	(pc) =	sbr.rel @p1 .LBB2_11-.Ltmp8, $3  }
0x7a: {  	_ =	sdelay $0x1  }
0x7b: {  	s21 =	sadd.s32 $0x10, s21;
	[tilespmem:v4+s13+$0x0] =	vst.idx.msk vm0, v6  }
0x7c: {  	s22 =	sadd.s32 $0xFFFFFFFF, s22;
	v4 =	vld [tilespmem:s21+$0x0]  }
.Ltmp9:
0x7d: {  	_ = 	snop;
	(pc) =	sbr.rel .LBB2_12-.Ltmp9, $1  }
0x7e: {  	_ =	sdelay $0x3  }
.LBB2_10:
.Ltmp10:
0x7f: {  	(pc) =	sbr.rel .LBB2_12-.Ltmp10, $2  }
0x80: {  	_ =	sdelay $0x2  }
0x81: {  	s19 =	smov.u32 s17;
	s20 =	smov.u32 s15;
	s18 =	smov.u32 s16  }
.LBB2_14:
0x82: {  	_ =	sfence.sel $0x180000  }
0x83: {  	[bflag:$0x0] =	sbarrier.arrive $0xFFFF  }
0x84: {  	p0 =	sne.s32 s4, $0x0;
	_ =	strace $0x90000047  }
0x85: {  	s0 =	sadd.s32 @!p0 $0x100000, s0;
	[bflag:$0x2] =	sbarrier.arrive $0xFFFF  }
0x86: {  	[sflag:s0] =	ssyncadd.tile.s32 @!p0 $0x1;
	_ =	shalt  }
.Lfunc_end2:
_tile_overlayer_lowered:
.L_overlay_start_2:
0x87: {  	(tag) =	ssettag $0x2  }
0x88: {  	s0 =	rddreg [dreg:$0x0];
	s2 =	stileid.u32  }
0x89: {  	s1 =	rddreg [dreg:$0x1];
	p0 =	sne.s32 s2, $0x0  }
0x8a: {  	s3 =	rddreg [dreg:$0x2];
	[bflag:$0x3] =	sbarrier.arrive $0xFFFF;
	s2 =	simm.s32 @!p0 $0x1C01  }
0x8b: {  	[timem:s3], [sflag:s2] =	dma.local @!p0 [hbm:s0], s1  }
0x8c: {  	s0 =	simm.s32 @!p0 $0x1  }
0x8d: {  	_ =	swait.ge @!p0 [sflag:s0], s1  }
0x8e: {  	s1 =	ssub.s32 @!p0 $0x0, s1;
	[sflag:s0] =	ssyncset.done @!p0 $0x0  }
0x8f: {  	[sflag:s0] =	ssyncadd.s32 @!p0 s1  }
0x90: {  	[bflag:$0x3] =	sbarrier.arrive $0xFFFF  }
0x91: {  	_ =	shalt  }

</sc_bundles>
